<compile_context>
chip_gen: v7x
topology: tpu7x:2x2x1
jax: 0.10.2.dev20260603
libtpu: 0.0.44.dev20260713+nightly
codegen_flags: <defaults>
</compile_context>

<pallas_src>
import jax
import jax.numpy as jnp
from jax import lax
from jax.experimental import pallas as pl
from jax.experimental.pallas import tpu as pltpu
from jax.experimental.pallas import tpu_sc as plsc

B, L = 4096, 50
WORD_DIM, TAG_DIM = 128, 64
OUT_DIM = WORD_DIM + TAG_DIM
N = B * L
NC, NS = 2, 16
NW = NC * NS
C = 64
CHUNKS_PER_W = N // (NW * C)


def _sc_body(words_hbm, ext_hbm, tags_hbm, w_word_hbm, w_ext_hbm, w_tag_hbm,
             out_hbm,
             idx_w, idx_e, idx_t,
             buf_w0, buf_e0, buf_t0, out0,
             buf_w1, buf_e1, buf_t1, out1,
             sem_g0, sem_g1, sem_o0, sem_o1):
    wid = lax.axis_index("s") * NC + lax.axis_index("c")
    row0 = wid * CHUNKS_PER_W

    pltpu.sync_copy(words_hbm.at[wid], idx_w)
    pltpu.sync_copy(ext_hbm.at[wid], idx_e)
    pltpu.sync_copy(tags_hbm.at[wid], idx_t)

    sets = ((buf_w0, buf_e0, buf_t0, out0, sem_g0, sem_o0),
            (buf_w1, buf_e1, buf_t1, out1, sem_g1, sem_o1))

    def issue(j, s):
        bw, be, bt, _, sem, _ = s
        pltpu.async_copy(w_word_hbm.at[idx_w.at[j]], bw, sem)
        pltpu.async_copy(w_ext_hbm.at[idx_e.at[j]], be, sem)
        pltpu.async_copy(w_tag_hbm.at[idx_t.at[j]], bt, sem)

    def drain_gathers(j, s):
        bw, be, bt, _, sem, _ = s
        pltpu.make_async_copy(w_word_hbm.at[idx_w.at[j]], bw, sem).wait()
        pltpu.make_async_copy(w_ext_hbm.at[idx_e.at[j]], be, sem).wait()
        pltpu.make_async_copy(w_tag_hbm.at[idx_t.at[j]], bt, sem).wait()

    def assemble_and_write(j, s, first):
        bw, be, bt, ob, _, sem_o = s
        drain_gathers(j, s)
        if not first:
            pltpu.make_async_copy(ob, out_hbm.at[pl.ds(0, C)], sem_o).wait()

        def assemble_row(r, c2):
            for cc in range(WORD_DIM // 16):
                sl = pl.ds(cc * 16, 16)
                ob[r, sl] = bw[r, sl] + be[r, sl]
            for cc in range(TAG_DIM // 16):
                ob[r, pl.ds(WORD_DIM + cc * 16, 16)] = bt[r, pl.ds(cc * 16, 16)]
            return c2

        lax.fori_loop(0, C, assemble_row, 0)
        base = (row0 + j) * C
        pltpu.async_copy(ob, out_hbm.at[pl.ds(base, C)], sem_o)

    issue(0, sets[0])
    issue(1, sets[1])
    assemble_and_write(0, sets[0], first=True)
    issue(2, sets[0])
    assemble_and_write(1, sets[1], first=True)
    issue(3, sets[1])

    def body(jj, carry):
        j = jj * 2
        assemble_and_write(j, sets[0], first=False)

        @pl.when(j + 2 < CHUNKS_PER_W)
        def _():
            issue(j + 2, sets[0])

        assemble_and_write(j + 1, sets[1], first=False)

        @pl.when(j + 3 < CHUNKS_PER_W)
        def _():
            issue(j + 3, sets[1])

        return carry

    lax.fori_loop(1, CHUNKS_PER_W // 2, body, 0)

    pltpu.make_async_copy(out0, out_hbm.at[pl.ds(0, C)], sem_o0).wait()
    pltpu.make_async_copy(out1, out_hbm.at[pl.ds(0, C)], sem_o1).wait()


@jax.jit
def _input_layer(words, ext_words, tags, w_word, w_ext, w_tag):
    words2 = words.reshape(-1).astype(jnp.int32).reshape(NW, CHUNKS_PER_W, C)
    ext2 = ext_words.reshape(-1).astype(jnp.int32).reshape(NW, CHUNKS_PER_W, C)
    tags2 = tags.reshape(-1).astype(jnp.int32).reshape(NW, CHUNKS_PER_W, C)
    w_tag_pad = jnp.pad(w_tag, ((0, 0), (0, WORD_DIM - TAG_DIM)))

    mesh = plsc.VectorSubcoreMesh(core_axis_name="c", subcore_axis_name="s",
                                  num_cores=NC, num_subcores=NS)
    out = pl.kernel(
        _sc_body,
        out_type=jax.ShapeDtypeStruct((N, OUT_DIM), jnp.float32),
        mesh=mesh,
        scratch_types=[
            pltpu.VMEM((CHUNKS_PER_W, C), jnp.int32),
            pltpu.VMEM((CHUNKS_PER_W, C), jnp.int32),
            pltpu.VMEM((CHUNKS_PER_W, C), jnp.int32),
            pltpu.VMEM((C, WORD_DIM), jnp.float32),
            pltpu.VMEM((C, WORD_DIM), jnp.float32),
            pltpu.VMEM((C, WORD_DIM), jnp.float32),
            pltpu.VMEM((C, OUT_DIM), jnp.float32),
            pltpu.VMEM((C, WORD_DIM), jnp.float32),
            pltpu.VMEM((C, WORD_DIM), jnp.float32),
            pltpu.VMEM((C, WORD_DIM), jnp.float32),
            pltpu.VMEM((C, OUT_DIM), jnp.float32),
            pltpu.SemaphoreType.DMA,
            pltpu.SemaphoreType.DMA,
            pltpu.SemaphoreType.DMA,
            pltpu.SemaphoreType.DMA,
        ],
    )(words2, ext2, tags2, w_word, w_ext, w_tag_pad)
    return out.reshape(B, L, OUT_DIM)


def kernel(words, ext_words, tags, W_word, W_ext, W_tag):
    return _input_layer(words, ext_words, tags, W_word, W_ext, W_tag)

# --- scband reference (transcript-rebuilt; emitter-appended) ---
"""Pipeline reference for scband-input-layer-22874995819020 (READ-ONLY COPY).

The authoritative reference and input builder live on the scoring server;
editing this copy changes nothing except your own understanding.
"""

import jax, jax.numpy as jnp
import numpy as np

B, L = 4096, 50
WORD_VOCAB, EXT_VOCAB, TAG_VOCAB = 100000, 1000000, 1000
WORD_DIM, TAG_DIM = 128, 64


def setup_inputs(seed: int = 0) -> dict:
    key = jax.random.key(seed)
    k1, k2, k3, k4, k5, k6 = jax.random.split(key, 6)
    words = jax.random.randint(k1, (B, L), 0, WORD_VOCAB, dtype=jnp.int64 if jax.config.jax_enable_x64 else jnp.int32)
    ext_words = jax.random.randint(k2, (B, L), 0, EXT_VOCAB, dtype=jnp.int64 if jax.config.jax_enable_x64 else jnp.int32)
    tags = jax.random.randint(k3, (B, L), 0, TAG_VOCAB, dtype=jnp.int64 if jax.config.jax_enable_x64 else jnp.int32)
    W_word = jax.random.normal(k4, (WORD_VOCAB, WORD_DIM), dtype=jnp.float32) * 0.02
    W_ext = jax.random.normal(k5, (EXT_VOCAB, WORD_DIM), dtype=jnp.float32) * 0.02
    W_tag = jax.random.normal(k6, (TAG_VOCAB, TAG_DIM), dtype=jnp.float32) * 0.02
    # padding_idx rows are zero in torch nn.Embedding(padding_idx=...)
    W_word = W_word.at[0].set(0.0)
    W_ext = W_ext.at[0].set(0.0)
    W_tag = W_tag.at[0].set(0.0)
    return {"words": words, "ext_words": ext_words, "tags": tags,
            "W_word": W_word, "W_ext": W_ext, "W_tag": W_tag}


def reference(words, ext_words, tags, W_word, W_ext, W_tag):
    # eval-mode forward (no dropout): lookup, add, lookup, concat
    x_word_embed = jnp.take(W_word, words, axis=0)
    x_ext_word_embed = jnp.take(W_ext, ext_words, axis=0)
    x_embed = x_word_embed + x_ext_word_embed
    x_tag_embed = jnp.take(W_tag, tags, axis=0)
    return jnp.concatenate((x_embed, x_tag_embed), axis=2)

if __name__ == "__main__":
    import jax
    _d = setup_inputs()
    print(jax.jit(kernel)(*tuple(_d.values())))

</pallas_src>

<mosaic_0001>
#map = affine_map<(d0, d1) -> (0, 0, 0)>
#map1 = affine_map<(d0, d1) -> (0, 0)>
module attributes {stable_mosaic.version = 14 : i64} {
  func.func @_sc_body(%arg0: i32, %arg1: i32, %arg2: memref<32x100x64xi32, #tpu.memory_space<hbm>>, %arg3: memref<32x100x64xi32, #tpu.memory_space<hbm>>, %arg4: memref<32x100x64xi32, #tpu.memory_space<hbm>>, %arg5: memref<100000x128xf32, #tpu.memory_space<hbm>>, %arg6: memref<1000000x128xf32, #tpu.memory_space<hbm>>, %arg7: memref<1000x128xf32, #tpu.memory_space<hbm>>, %arg8: memref<204800x192xf32, #tpu.memory_space<hbm>>, %arg9: memref<100x64xi32, #tpu.memory_space<vmem>>, %arg10: memref<100x64xi32, #tpu.memory_space<vmem>>, %arg11: memref<100x64xi32, #tpu.memory_space<vmem>>, %arg12: memref<64x128xf32, #tpu.memory_space<vmem>>, %arg13: memref<64x128xf32, #tpu.memory_space<vmem>>, %arg14: memref<64x128xf32, #tpu.memory_space<vmem>>, %arg15: memref<64x192xf32, #tpu.memory_space<vmem>>, %arg16: memref<64x128xf32, #tpu.memory_space<vmem>>, %arg17: memref<64x128xf32, #tpu.memory_space<vmem>>, %arg18: memref<64x128xf32, #tpu.memory_space<vmem>>, %arg19: memref<64x192xf32, #tpu.memory_space<vmem>>, %arg20: memref<!tpu.dma_semaphore, #tpu.memory_space<semaphore_mem>>, %arg21: memref<!tpu.dma_semaphore, #tpu.memory_space<semaphore_mem>>, %arg22: memref<!tpu.dma_semaphore, #tpu.memory_space<semaphore_mem>>, %arg23: memref<!tpu.dma_semaphore, #tpu.memory_space<semaphore_mem>>) attributes {dimension_semantics = [#tpu.dimension_semantics<core_parallel>, #tpu.dimension_semantics<subcore_parallel>], iteration_bounds = array<i64: 2, 16>, scalar_prefetch = 0 : i64, scratch_operands = 15 : i64, tpu.core_type = #tpu.core_type<sc_vector_subcore>, window_params = [{transform_indices = #map}, {transform_indices = #map}, {transform_indices = #map}, {transform_indices = #map1}, {transform_indices = #map1}, {transform_indices = #map1}, {transform_indices = #map1}]} {
    %mul3A = arith.constant 2 : i32
    %mul3A_0 = arith.muli %arg1, %mul3A : i32
    %add3A = arith.addi %mul3A_0, %arg0 : i32
    %mul3A_1 = arith.constant 100 : i32
    %mul3A_2 = arith.muli %add3A, %mul3A_1 : i32
    "tpu.region"() ({
      %run_scoped3A = tpu.sem_alloc : memref<!tpu.dma_semaphore, #tpu.memory_space<semaphore_mem>>
      %dma_start3A_172 = arith.constant 0 : i32
      %dma_start3A_173 = arith.constant 0 : i32
      %dma_start3A_174 = tpu.memref_slice %arg2[%add3A, %dma_start3A_172, %dma_start3A_173] : memref<32x100x64xi32, #tpu.memory_space<hbm>> -> memref<1x100x64xi32, #tpu.memory_space<hbm>>
      %dma_start3A_175 = tpu.memref_squeeze %dma_start3A_174 : memref<1x100x64xi32, #tpu.memory_space<hbm>> -> memref<100x64xi32, #tpu.memory_space<hbm>>
      %dma_start3A_176 = arith.constant 0 : i32
      %dma_start3A_177 = arith.constant 0 : i32
      %dma_start3A_178 = tpu.memref_slice %arg2[%add3A, %dma_start3A_176, %dma_start3A_177] : memref<32x100x64xi32, #tpu.memory_space<hbm>> -> memref<1x100x64xi32, #tpu.memory_space<hbm>>
      %dma_start3A_179 = tpu.memref_squeeze %dma_start3A_178 : memref<1x100x64xi32, #tpu.memory_space<hbm>> -> memref<100x64xi32, #tpu.memory_space<hbm>>
      tpu.enqueue_dma source(%dma_start3A_179 : memref<100x64xi32, #tpu.memory_space<hbm>>) target(%arg9 : memref<100x64xi32, #tpu.memory_space<vmem>>) target_semaphore(%run_scoped3A : memref<!tpu.dma_semaphore, #tpu.memory_space<semaphore_mem>>)
      %dma_wait3A_180 = arith.constant 0 : i32
      %dma_wait3A_181 = arith.constant 0 : i32
      %dma_wait3A_182 = tpu.memref_slice %arg2[%add3A, %dma_wait3A_180, %dma_wait3A_181] : memref<32x100x64xi32, #tpu.memory_space<hbm>> -> memref<1x100x64xi32, #tpu.memory_space<hbm>>
      %dma_wait3A_183 = tpu.memref_squeeze %dma_wait3A_182 : memref<1x100x64xi32, #tpu.memory_space<hbm>> -> memref<100x64xi32, #tpu.memory_space<hbm>>
      %dma_wait3A_184 = arith.constant 0 : i32
      %dma_wait3A_185 = arith.constant 0 : i32
      %dma_wait3A_186 = tpu.memref_slice %arg2[%add3A, %dma_wait3A_184, %dma_wait3A_185] : memref<32x100x64xi32, #tpu.memory_space<hbm>> -> memref<1x100x64xi32, #tpu.memory_space<hbm>>
      %dma_wait3A_187 = tpu.memref_squeeze %dma_wait3A_186 : memref<1x100x64xi32, #tpu.memory_space<hbm>> -> memref<100x64xi32, #tpu.memory_space<hbm>>
      tpu.wait_dma2 semaphore(%run_scoped3A : memref<!tpu.dma_semaphore, #tpu.memory_space<semaphore_mem>>) src(%dma_wait3A_187 : memref<100x64xi32, #tpu.memory_space<hbm>>) dst(%arg9 : memref<100x64xi32, #tpu.memory_space<vmem>>)
      tpu.yield
    }) : () -> ()
    "tpu.region"() ({
      %run_scoped3A = tpu.sem_alloc : memref<!tpu.dma_semaphore, #tpu.memory_space<semaphore_mem>>
      %dma_start3A_172 = arith.constant 0 : i32
      %dma_start3A_173 = arith.constant 0 : i32
      %dma_start3A_174 = tpu.memref_slice %arg3[%add3A, %dma_start3A_172, %dma_start3A_173] : memref<32x100x64xi32, #tpu.memory_space<hbm>> -> memref<1x100x64xi32, #tpu.memory_space<hbm>>
      %dma_start3A_175 = tpu.memref_squeeze %dma_start3A_174 : memref<1x100x64xi32, #tpu.memory_space<hbm>> -> memref<100x64xi32, #tpu.memory_space<hbm>>
      %dma_start3A_176 = arith.constant 0 : i32
      %dma_start3A_177 = arith.constant 0 : i32
      %dma_start3A_178 = tpu.memref_slice %arg3[%add3A, %dma_start3A_176, %dma_start3A_177] : memref<32x100x64xi32, #tpu.memory_space<hbm>> -> memref<1x100x64xi32, #tpu.memory_space<hbm>>
      %dma_start3A_179 = tpu.memref_squeeze %dma_start3A_178 : memref<1x100x64xi32, #tpu.memory_space<hbm>> -> memref<100x64xi32, #tpu.memory_space<hbm>>
      tpu.enqueue_dma source(%dma_start3A_179 : memref<100x64xi32, #tpu.memory_space<hbm>>) target(%arg10 : memref<100x64xi32, #tpu.memory_space<vmem>>) target_semaphore(%run_scoped3A : memref<!tpu.dma_semaphore, #tpu.memory_space<semaphore_mem>>)
      %dma_wait3A_180 = arith.constant 0 : i32
      %dma_wait3A_181 = arith.constant 0 : i32
      %dma_wait3A_182 = tpu.memref_slice %arg3[%add3A, %dma_wait3A_180, %dma_wait3A_181] : memref<32x100x64xi32, #tpu.memory_space<hbm>> -> memref<1x100x64xi32, #tpu.memory_space<hbm>>
      %dma_wait3A_183 = tpu.memref_squeeze %dma_wait3A_182 : memref<1x100x64xi32, #tpu.memory_space<hbm>> -> memref<100x64xi32, #tpu.memory_space<hbm>>
      %dma_wait3A_184 = arith.constant 0 : i32
      %dma_wait3A_185 = arith.constant 0 : i32
      %dma_wait3A_186 = tpu.memref_slice %arg3[%add3A, %dma_wait3A_184, %dma_wait3A_185] : memref<32x100x64xi32, #tpu.memory_space<hbm>> -> memref<1x100x64xi32, #tpu.memory_space<hbm>>
      %dma_wait3A_187 = tpu.memref_squeeze %dma_wait3A_186 : memref<1x100x64xi32, #tpu.memory_space<hbm>> -> memref<100x64xi32, #tpu.memory_space<hbm>>
      tpu.wait_dma2 semaphore(%run_scoped3A : memref<!tpu.dma_semaphore, #tpu.memory_space<semaphore_mem>>) src(%dma_wait3A_187 : memref<100x64xi32, #tpu.memory_space<hbm>>) dst(%arg10 : memref<100x64xi32, #tpu.memory_space<vmem>>)
      tpu.yield
    }) : () -> ()
    "tpu.region"() ({
      %run_scoped3A = tpu.sem_alloc : memref<!tpu.dma_semaphore, #tpu.memory_space<semaphore_mem>>
      %dma_start3A_172 = arith.constant 0 : i32
      %dma_start3A_173 = arith.constant 0 : i32
      %dma_start3A_174 = tpu.memref_slice %arg4[%add3A, %dma_start3A_172, %dma_start3A_173] : memref<32x100x64xi32, #tpu.memory_space<hbm>> -> memref<1x100x64xi32, #tpu.memory_space<hbm>>
      %dma_start3A_175 = tpu.memref_squeeze %dma_start3A_174 : memref<1x100x64xi32, #tpu.memory_space<hbm>> -> memref<100x64xi32, #tpu.memory_space<hbm>>
      %dma_start3A_176 = arith.constant 0 : i32
      %dma_start3A_177 = arith.constant 0 : i32
      %dma_start3A_178 = tpu.memref_slice %arg4[%add3A, %dma_start3A_176, %dma_start3A_177] : memref<32x100x64xi32, #tpu.memory_space<hbm>> -> memref<1x100x64xi32, #tpu.memory_space<hbm>>
      %dma_start3A_179 = tpu.memref_squeeze %dma_start3A_178 : memref<1x100x64xi32, #tpu.memory_space<hbm>> -> memref<100x64xi32, #tpu.memory_space<hbm>>
      tpu.enqueue_dma source(%dma_start3A_179 : memref<100x64xi32, #tpu.memory_space<hbm>>) target(%arg11 : memref<100x64xi32, #tpu.memory_space<vmem>>) target_semaphore(%run_scoped3A : memref<!tpu.dma_semaphore, #tpu.memory_space<semaphore_mem>>)
      %dma_wait3A_180 = arith.constant 0 : i32
      %dma_wait3A_181 = arith.constant 0 : i32
      %dma_wait3A_182 = tpu.memref_slice %arg4[%add3A, %dma_wait3A_180, %dma_wait3A_181] : memref<32x100x64xi32, #tpu.memory_space<hbm>> -> memref<1x100x64xi32, #tpu.memory_space<hbm>>
      %dma_wait3A_183 = tpu.memref_squeeze %dma_wait3A_182 : memref<1x100x64xi32, #tpu.memory_space<hbm>> -> memref<100x64xi32, #tpu.memory_space<hbm>>
      %dma_wait3A_184 = arith.constant 0 : i32
      %dma_wait3A_185 = arith.constant 0 : i32
      %dma_wait3A_186 = tpu.memref_slice %arg4[%add3A, %dma_wait3A_184, %dma_wait3A_185] : memref<32x100x64xi32, #tpu.memory_space<hbm>> -> memref<1x100x64xi32, #tpu.memory_space<hbm>>
      %dma_wait3A_187 = tpu.memref_squeeze %dma_wait3A_186 : memref<1x100x64xi32, #tpu.memory_space<hbm>> -> memref<100x64xi32, #tpu.memory_space<hbm>>
      tpu.wait_dma2 semaphore(%run_scoped3A : memref<!tpu.dma_semaphore, #tpu.memory_space<semaphore_mem>>) src(%dma_wait3A_187 : memref<100x64xi32, #tpu.memory_space<hbm>>) dst(%arg11 : memref<100x64xi32, #tpu.memory_space<vmem>>)
      tpu.yield
    }) : () -> ()
    %dma_start3A = arith.constant 0 : i32
    %dma_start3A_3 = arith.constant 0 : i32
    %dma_start3A_4 = tpu.memref_slice %arg9[%dma_start3A, %dma_start3A_3] : memref<100x64xi32, #tpu.memory_space<vmem>> -> memref<1x64xi32, #tpu.memory_space<vmem>>
    %dma_start3A_5 = tpu.memref_squeeze %dma_start3A_4 : memref<1x64xi32, #tpu.memory_space<vmem>> -> memref<64xi32, #tpu.memory_space<vmem>>
    %dma_start3A_6 = arith.constant 0 : i32
    %dma_start3A_7 = arith.constant 0 : i32
    %dma_start3A_8 = tpu.memref_slice %arg5[%dma_start3A_6, %dma_start3A_7] : memref<100000x128xf32, #tpu.memory_space<hbm>> -> memref<100000x128xf32, #tpu.memory_space<hbm>>
    tpu.enqueue_indirect_dma source(%dma_start3A_8 : memref<100000x128xf32, #tpu.memory_space<hbm>>) target(%arg12 : memref<64x128xf32, #tpu.memory_space<vmem>>) offsets(%dma_start3A_5 : memref<64xi32, #tpu.memory_space<vmem>>) semaphore(%arg20 : memref<!tpu.dma_semaphore, #tpu.memory_space<semaphore_mem>>)
    %dma_start3A_9 = arith.constant 0 : i32
    %dma_start3A_10 = arith.constant 0 : i32
    %dma_start3A_11 = tpu.memref_slice %arg10[%dma_start3A_9, %dma_start3A_10] : memref<100x64xi32, #tpu.memory_space<vmem>> -> memref<1x64xi32, #tpu.memory_space<vmem>>
    %dma_start3A_12 = tpu.memref_squeeze %dma_start3A_11 : memref<1x64xi32, #tpu.memory_space<vmem>> -> memref<64xi32, #tpu.memory_space<vmem>>
    %dma_start3A_13 = arith.constant 0 : i32
    %dma_start3A_14 = arith.constant 0 : i32
    %dma_start3A_15 = tpu.memref_slice %arg6[%dma_start3A_13, %dma_start3A_14] : memref<1000000x128xf32, #tpu.memory_space<hbm>> -> memref<1000000x128xf32, #tpu.memory_space<hbm>>
    tpu.enqueue_indirect_dma source(%dma_start3A_15 : memref<1000000x128xf32, #tpu.memory_space<hbm>>) target(%arg13 : memref<64x128xf32, #tpu.memory_space<vmem>>) offsets(%dma_start3A_12 : memref<64xi32, #tpu.memory_space<vmem>>) semaphore(%arg20 : memref<!tpu.dma_semaphore, #tpu.memory_space<semaphore_mem>>)
    %dma_start3A_16 = arith.constant 0 : i32
    %dma_start3A_17 = arith.constant 0 : i32
    %dma_start3A_18 = tpu.memref_slice %arg11[%dma_start3A_16, %dma_start3A_17] : memref<100x64xi32, #tpu.memory_space<vmem>> -> memref<1x64xi32, #tpu.memory_space<vmem>>
    %dma_start3A_19 = tpu.memref_squeeze %dma_start3A_18 : memref<1x64xi32, #tpu.memory_space<vmem>> -> memref<64xi32, #tpu.memory_space<vmem>>
    %dma_start3A_20 = arith.constant 0 : i32
    %dma_start3A_21 = arith.constant 0 : i32
    %dma_start3A_22 = tpu.memref_slice %arg7[%dma_start3A_20, %dma_start3A_21] : memref<1000x128xf32, #tpu.memory_space<hbm>> -> memref<1000x128xf32, #tpu.memory_space<hbm>>
    tpu.enqueue_indirect_dma source(%dma_start3A_22 : memref<1000x128xf32, #tpu.memory_space<hbm>>) target(%arg14 : memref<64x128xf32, #tpu.memory_space<vmem>>) offsets(%dma_start3A_19 : memref<64xi32, #tpu.memory_space<vmem>>) semaphore(%arg20 : memref<!tpu.dma_semaphore, #tpu.memory_space<semaphore_mem>>)
    %dma_start3A_23 = arith.constant 1 : i32
    %dma_start3A_24 = arith.constant 0 : i32
    %dma_start3A_25 = tpu.memref_slice %arg9[%dma_start3A_23, %dma_start3A_24] : memref<100x64xi32, #tpu.memory_space<vmem>> -> memref<1x64xi32, #tpu.memory_space<vmem>>
    %dma_start3A_26 = tpu.memref_squeeze %dma_start3A_25 : memref<1x64xi32, #tpu.memory_space<vmem>> -> memref<64xi32, #tpu.memory_space<vmem>>
    %dma_start3A_27 = arith.constant 0 : i32
    %dma_start3A_28 = arith.constant 0 : i32
    %dma_start3A_29 = tpu.memref_slice %arg5[%dma_start3A_27, %dma_start3A_28] : memref<100000x128xf32, #tpu.memory_space<hbm>> -> memref<100000x128xf32, #tpu.memory_space<hbm>>
    tpu.enqueue_indirect_dma source(%dma_start3A_29 : memref<100000x128xf32, #tpu.memory_space<hbm>>) target(%arg16 : memref<64x128xf32, #tpu.memory_space<vmem>>) offsets(%dma_start3A_26 : memref<64xi32, #tpu.memory_space<vmem>>) semaphore(%arg21 : memref<!tpu.dma_semaphore, #tpu.memory_space<semaphore_mem>>)
    %dma_start3A_30 = arith.constant 1 : i32
    %dma_start3A_31 = arith.constant 0 : i32
    %dma_start3A_32 = tpu.memref_slice %arg10[%dma_start3A_30, %dma_start3A_31] : memref<100x64xi32, #tpu.memory_space<vmem>> -> memref<1x64xi32, #tpu.memory_space<vmem>>
    %dma_start3A_33 = tpu.memref_squeeze %dma_start3A_32 : memref<1x64xi32, #tpu.memory_space<vmem>> -> memref<64xi32, #tpu.memory_space<vmem>>
    %dma_start3A_34 = arith.constant 0 : i32
    %dma_start3A_35 = arith.constant 0 : i32
    %dma_start3A_36 = tpu.memref_slice %arg6[%dma_start3A_34, %dma_start3A_35] : memref<1000000x128xf32, #tpu.memory_space<hbm>> -> memref<1000000x128xf32, #tpu.memory_space<hbm>>
    tpu.enqueue_indirect_dma source(%dma_start3A_36 : memref<1000000x128xf32, #tpu.memory_space<hbm>>) target(%arg17 : memref<64x128xf32, #tpu.memory_space<vmem>>) offsets(%dma_start3A_33 : memref<64xi32, #tpu.memory_space<vmem>>) semaphore(%arg21 : memref<!tpu.dma_semaphore, #tpu.memory_space<semaphore_mem>>)
    %dma_start3A_37 = arith.constant 1 : i32
    %dma_start3A_38 = arith.constant 0 : i32
    %dma_start3A_39 = tpu.memref_slice %arg11[%dma_start3A_37, %dma_start3A_38] : memref<100x64xi32, #tpu.memory_space<vmem>> -> memref<1x64xi32, #tpu.memory_space<vmem>>
    %dma_start3A_40 = tpu.memref_squeeze %dma_start3A_39 : memref<1x64xi32, #tpu.memory_space<vmem>> -> memref<64xi32, #tpu.memory_space<vmem>>
    %dma_start3A_41 = arith.constant 0 : i32
    %dma_start3A_42 = arith.constant 0 : i32
    %dma_start3A_43 = tpu.memref_slice %arg7[%dma_start3A_41, %dma_start3A_42] : memref<1000x128xf32, #tpu.memory_space<hbm>> -> memref<1000x128xf32, #tpu.memory_space<hbm>>
    tpu.enqueue_indirect_dma source(%dma_start3A_43 : memref<1000x128xf32, #tpu.memory_space<hbm>>) target(%arg18 : memref<64x128xf32, #tpu.memory_space<vmem>>) offsets(%dma_start3A_40 : memref<64xi32, #tpu.memory_space<vmem>>) semaphore(%arg21 : memref<!tpu.dma_semaphore, #tpu.memory_space<semaphore_mem>>)
    %dma_wait3A = arith.constant 0 : i32
    %dma_wait3A_44 = arith.constant 0 : i32
    %dma_wait3A_45 = tpu.memref_slice %arg9[%dma_wait3A, %dma_wait3A_44] : memref<100x64xi32, #tpu.memory_space<vmem>> -> memref<1x64xi32, #tpu.memory_space<vmem>>
    %dma_wait3A_46 = tpu.memref_squeeze %dma_wait3A_45 : memref<1x64xi32, #tpu.memory_space<vmem>> -> memref<64xi32, #tpu.memory_space<vmem>>
    %dma_wait3A_47 = arith.constant 0 : i32
    %dma_wait3A_48 = arith.constant 0 : i32
    %dma_wait3A_49 = tpu.memref_slice %arg5[%dma_wait3A_47, %dma_wait3A_48] : memref<100000x128xf32, #tpu.memory_space<hbm>> -> memref<100000x128xf32, #tpu.memory_space<hbm>>
    tpu.wait_indirect_dma semaphore(%arg20 : memref<!tpu.dma_semaphore, #tpu.memory_space<semaphore_mem>>) src(%dma_wait3A_49 : memref<100000x128xf32, #tpu.memory_space<hbm>>) dst(%arg12 : memref<64x128xf32, #tpu.memory_space<vmem>>)
    %dma_wait3A_50 = arith.constant 0 : i32
    %dma_wait3A_51 = arith.constant 0 : i32
    %dma_wait3A_52 = tpu.memref_slice %arg10[%dma_wait3A_50, %dma_wait3A_51] : memref<100x64xi32, #tpu.memory_space<vmem>> -> memref<1x64xi32, #tpu.memory_space<vmem>>
    %dma_wait3A_53 = tpu.memref_squeeze %dma_wait3A_52 : memref<1x64xi32, #tpu.memory_space<vmem>> -> memref<64xi32, #tpu.memory_space<vmem>>
    %dma_wait3A_54 = arith.constant 0 : i32
    %dma_wait3A_55 = arith.constant 0 : i32
    %dma_wait3A_56 = tpu.memref_slice %arg6[%dma_wait3A_54, %dma_wait3A_55] : memref<1000000x128xf32, #tpu.memory_space<hbm>> -> memref<1000000x128xf32, #tpu.memory_space<hbm>>
    tpu.wait_indirect_dma semaphore(%arg20 : memref<!tpu.dma_semaphore, #tpu.memory_space<semaphore_mem>>) src(%dma_wait3A_56 : memref<1000000x128xf32, #tpu.memory_space<hbm>>) dst(%arg13 : memref<64x128xf32, #tpu.memory_space<vmem>>)
    %dma_wait3A_57 = arith.constant 0 : i32
    %dma_wait3A_58 = arith.constant 0 : i32
    %dma_wait3A_59 = tpu.memref_slice %arg11[%dma_wait3A_57, %dma_wait3A_58] : memref<100x64xi32, #tpu.memory_space<vmem>> -> memref<1x64xi32, #tpu.memory_space<vmem>>
    %dma_wait3A_60 = tpu.memref_squeeze %dma_wait3A_59 : memref<1x64xi32, #tpu.memory_space<vmem>> -> memref<64xi32, #tpu.memory_space<vmem>>
    %dma_wait3A_61 = arith.constant 0 : i32
    %dma_wait3A_62 = arith.constant 0 : i32
    %dma_wait3A_63 = tpu.memref_slice %arg7[%dma_wait3A_61, %dma_wait3A_62] : memref<1000x128xf32, #tpu.memory_space<hbm>> -> memref<1000x128xf32, #tpu.memory_space<hbm>>
    tpu.wait_indirect_dma semaphore(%arg20 : memref<!tpu.dma_semaphore, #tpu.memory_space<semaphore_mem>>) src(%dma_wait3A_63 : memref<1000x128xf32, #tpu.memory_space<hbm>>) dst(%arg14 : memref<64x128xf32, #tpu.memory_space<vmem>>)
    %scan3A = arith.constant 0 : i32
    %scan3A_64 = arith.constant 0 : i32
    %scan3A_65 = arith.constant 64 : i32
    %scan3A_66 = arith.addi %scan3A_64, %scan3A_65 : i32
    %scan3A_67 = arith.constant 1 : i32
    scf.for %scan3A_172 = %scan3A_64 to %scan3A_66 step %scan3A_67  : i32 {
      %get3A = arith.index_cast %scan3A_172 : i32 to index
      %get3A_173 = arith.constant 0 : index
      %get3A_174 = tpu.vector_load %arg12[%get3A, %get3A_173] {strides = array<i32>} : memref<64x128xf32, #tpu.memory_space<vmem>>, vector<1x16xf32>,
      %get3A_175 = vector.shape_cast %get3A_174 : vector<1x16xf32> to vector<16xf32>
      %get3A_176 = arith.index_cast %scan3A_172 : i32 to index
      %get3A_177 = arith.constant 0 : index
      %get3A_178 = tpu.vector_load %arg13[%get3A_176, %get3A_177] {strides = array<i32>} : memref<64x128xf32, #tpu.memory_space<vmem>>, vector<1x16xf32>,
      %get3A_179 = vector.shape_cast %get3A_178 : vector<1x16xf32> to vector<16xf32>
      %add3A_180 = arith.addf %get3A_175, %get3A_179 : vector<16xf32>
      %swap3A = arith.index_cast %scan3A_172 : i32 to index
      %swap3A_181 = arith.constant 0 : index
      %swap3A_182 = tpu.vector_load %arg15[%swap3A, %swap3A_181] {strides = array<i32>} : memref<64x192xf32, #tpu.memory_space<vmem>>, vector<1x16xf32>,
      %swap3A_183 = vector.shape_cast %swap3A_182 : vector<1x16xf32> to vector<16xf32>
      %swap3A_184 = vector.shape_cast %add3A_180 : vector<16xf32> to vector<1x16xf32>
      tpu.vector_store %arg15[%swap3A, %swap3A_181], %swap3A_184 {strides = array<i32>} : memref<64x192xf32, #tpu.memory_space<vmem>>, vector<1x16xf32>,
      %get3A_185 = arith.index_cast %scan3A_172 : i32 to index
      %get3A_186 = arith.constant 16 : index
      %get3A_187 = tpu.vector_load %arg12[%get3A_185, %get3A_186] {strides = array<i32>} : memref<64x128xf32, #tpu.memory_space<vmem>>, vector<1x16xf32>,
      %get3A_188 = vector.shape_cast %get3A_187 : vector<1x16xf32> to vector<16xf32>
      %get3A_189 = arith.index_cast %scan3A_172 : i32 to index
      %get3A_190 = arith.constant 16 : index
      %get3A_191 = tpu.vector_load %arg13[%get3A_189, %get3A_190] {strides = array<i32>} : memref<64x128xf32, #tpu.memory_space<vmem>>, vector<1x16xf32>,
      %get3A_192 = vector.shape_cast %get3A_191 : vector<1x16xf32> to vector<16xf32>
      %add3A_193 = arith.addf %get3A_188, %get3A_192 : vector<16xf32>
      %swap3A_194 = arith.index_cast %scan3A_172 : i32 to index
      %swap3A_195 = arith.constant 16 : index
      %swap3A_196 = tpu.vector_load %arg15[%swap3A_194, %swap3A_195] {strides = array<i32>} : memref<64x192xf32, #tpu.memory_space<vmem>>, vector<1x16xf32>,
      %swap3A_197 = vector.shape_cast %swap3A_196 : vector<1x16xf32> to vector<16xf32>
      %swap3A_198 = vector.shape_cast %add3A_193 : vector<16xf32> to vector<1x16xf32>
      tpu.vector_store %arg15[%swap3A_194, %swap3A_195], %swap3A_198 {strides = array<i32>} : memref<64x192xf32, #tpu.memory_space<vmem>>, vector<1x16xf32>,
      %get3A_199 = arith.index_cast %scan3A_172 : i32 to index
      %get3A_200 = arith.constant 32 : index
      %get3A_201 = tpu.vector_load %arg12[%get3A_199, %get3A_200] {strides = array<i32>} : memref<64x128xf32, #tpu.memory_space<vmem>>, vector<1x16xf32>,
      %get3A_202 = vector.shape_cast %get3A_201 : vector<1x16xf32> to vector<16xf32>
      %get3A_203 = arith.index_cast %scan3A_172 : i32 to index
      %get3A_204 = arith.constant 32 : index
      %get3A_205 = tpu.vector_load %arg13[%get3A_203, %get3A_204] {strides = array<i32>} : memref<64x128xf32, #tpu.memory_space<vmem>>, vector<1x16xf32>,
      %get3A_206 = vector.shape_cast %get3A_205 : vector<1x16xf32> to vector<16xf32>
      %add3A_207 = arith.addf %get3A_202, %get3A_206 : vector<16xf32>
      %swap3A_208 = arith.index_cast %scan3A_172 : i32 to index
      %swap3A_209 = arith.constant 32 : index
      %swap3A_210 = tpu.vector_load %arg15[%swap3A_208, %swap3A_209] {strides = array<i32>} : memref<64x192xf32, #tpu.memory_space<vmem>>, vector<1x16xf32>,
      %swap3A_211 = vector.shape_cast %swap3A_210 : vector<1x16xf32> to vector<16xf32>
      %swap3A_212 = vector.shape_cast %add3A_207 : vector<16xf32> to vector<1x16xf32>
      tpu.vector_store %arg15[%swap3A_208, %swap3A_209], %swap3A_212 {strides = array<i32>} : memref<64x192xf32, #tpu.memory_space<vmem>>, vector<1x16xf32>,
      %get3A_213 = arith.index_cast %scan3A_172 : i32 to index
      %get3A_214 = arith.constant 48 : index
      %get3A_215 = tpu.vector_load %arg12[%get3A_213, %get3A_214] {strides = array<i32>} : memref<64x128xf32, #tpu.memory_space<vmem>>, vector<1x16xf32>,
      %get3A_216 = vector.shape_cast %get3A_215 : vector<1x16xf32> to vector<16xf32>
      %get3A_217 = arith.index_cast %scan3A_172 : i32 to index
      %get3A_218 = arith.constant 48 : index
      %get3A_219 = tpu.vector_load %arg13[%get3A_217, %get3A_218] {strides = array<i32>} : memref<64x128xf32, #tpu.memory_space<vmem>>, vector<1x16xf32>,
      %get3A_220 = vector.shape_cast %get3A_219 : vector<1x16xf32> to vector<16xf32>
      %add3A_221 = arith.addf %get3A_216, %get3A_220 : vector<16xf32>
      %swap3A_222 = arith.index_cast %scan3A_172 : i32 to index
      %swap3A_223 = arith.constant 48 : index
      %swap3A_224 = tpu.vector_load %arg15[%swap3A_222, %swap3A_223] {strides = array<i32>} : memref<64x192xf32, #tpu.memory_space<vmem>>, vector<1x16xf32>,
      %swap3A_225 = vector.shape_cast %swap3A_224 : vector<1x16xf32> to vector<16xf32>
      %swap3A_226 = vector.shape_cast %add3A_221 : vector<16xf32> to vector<1x16xf32>
      tpu.vector_store %arg15[%swap3A_222, %swap3A_223], %swap3A_226 {strides = array<i32>} : memref<64x192xf32, #tpu.memory_space<vmem>>, vector<1x16xf32>,
      %get3A_227 = arith.index_cast %scan3A_172 : i32 to index
      %get3A_228 = arith.constant 64 : index
      %get3A_229 = tpu.vector_load %arg12[%get3A_227, %get3A_228] {strides = array<i32>} : memref<64x128xf32, #tpu.memory_space<vmem>>, vector<1x16xf32>,
      %get3A_230 = vector.shape_cast %get3A_229 : vector<1x16xf32> to vector<16xf32>
      %get3A_231 = arith.index_cast %scan3A_172 : i32 to index
      %get3A_232 = arith.constant 64 : index
      %get3A_233 = tpu.vector_load %arg13[%get3A_231, %get3A_232] {strides = array<i32>} : memref<64x128xf32, #tpu.memory_space<vmem>>, vector<1x16xf32>,
      %get3A_234 = vector.shape_cast %get3A_233 : vector<1x16xf32> to vector<16xf32>
      %add3A_235 = arith.addf %get3A_230, %get3A_234 : vector<16xf32>
      %swap3A_236 = arith.index_cast %scan3A_172 : i32 to index
      %swap3A_237 = arith.constant 64 : index
      %swap3A_238 = tpu.vector_load %arg15[%swap3A_236, %swap3A_237] {strides = array<i32>} : memref<64x192xf32, #tpu.memory_space<vmem>>, vector<1x16xf32>,
      %swap3A_239 = vector.shape_cast %swap3A_238 : vector<1x16xf32> to vector<16xf32>
      %swap3A_240 = vector.shape_cast %add3A_235 : vector<16xf32> to vector<1x16xf32>
      tpu.vector_store %arg15[%swap3A_236, %swap3A_237], %swap3A_240 {strides = array<i32>} : memref<64x192xf32, #tpu.memory_space<vmem>>, vector<1x16xf32>,
      %get3A_241 = arith.index_cast %scan3A_172 : i32 to index
      %get3A_242 = arith.constant 80 : index
      %get3A_243 = tpu.vector_load %arg12[%get3A_241, %get3A_242] {strides = array<i32>} : memref<64x128xf32, #tpu.memory_space<vmem>>, vector<1x16xf32>,
      %get3A_244 = vector.shape_cast %get3A_243 : vector<1x16xf32> to vector<16xf32>
      %get3A_245 = arith.index_cast %scan3A_172 : i32 to index
      %get3A_246 = arith.constant 80 : index
      %get3A_247 = tpu.vector_load %arg13[%get3A_245, %get3A_246] {strides = array<i32>} : memref<64x128xf32, #tpu.memory_space<vmem>>, vector<1x16xf32>,
      %get3A_248 = vector.shape_cast %get3A_247 : vector<1x16xf32> to vector<16xf32>
      %add3A_249 = arith.addf %get3A_244, %get3A_248 : vector<16xf32>
      %swap3A_250 = arith.index_cast %scan3A_172 : i32 to index
      %swap3A_251 = arith.constant 80 : index
      %swap3A_252 = tpu.vector_load %arg15[%swap3A_250, %swap3A_251] {strides = array<i32>} : memref<64x192xf32, #tpu.memory_space<vmem>>, vector<1x16xf32>,
      %swap3A_253 = vector.shape_cast %swap3A_252 : vector<1x16xf32> to vector<16xf32>
      %swap3A_254 = vector.shape_cast %add3A_249 : vector<16xf32> to vector<1x16xf32>
      tpu.vector_store %arg15[%swap3A_250, %swap3A_251], %swap3A_254 {strides = array<i32>} : memref<64x192xf32, #tpu.memory_space<vmem>>, vector<1x16xf32>,
      %get3A_255 = arith.index_cast %scan3A_172 : i32 to index
      %get3A_256 = arith.constant 96 : index
      %get3A_257 = tpu.vector_load %arg12[%get3A_255, %get3A_256] {strides = array<i32>} : memref<64x128xf32, #tpu.memory_space<vmem>>, vector<1x16xf32>,
      %get3A_258 = vector.shape_cast %get3A_257 : vector<1x16xf32> to vector<16xf32>
      %get3A_259 = arith.index_cast %scan3A_172 : i32 to index
      %get3A_260 = arith.constant 96 : index
      %get3A_261 = tpu.vector_load %arg13[%get3A_259, %get3A_260] {strides = array<i32>} : memref<64x128xf32, #tpu.memory_space<vmem>>, vector<1x16xf32>,
      %get3A_262 = vector.shape_cast %get3A_261 : vector<1x16xf32> to vector<16xf32>
      %add3A_263 = arith.addf %get3A_258, %get3A_262 : vector<16xf32>
      %swap3A_264 = arith.index_cast %scan3A_172 : i32 to index
      %swap3A_265 = arith.constant 96 : index
      %swap3A_266 = tpu.vector_load %arg15[%swap3A_264, %swap3A_265] {strides = array<i32>} : memref<64x192xf32, #tpu.memory_space<vmem>>, vector<1x16xf32>,
      %swap3A_267 = vector.shape_cast %swap3A_266 : vector<1x16xf32> to vector<16xf32>
      %swap3A_268 = vector.shape_cast %add3A_263 : vector<16xf32> to vector<1x16xf32>
      tpu.vector_store %arg15[%swap3A_264, %swap3A_265], %swap3A_268 {strides = array<i32>} : memref<64x192xf32, #tpu.memory_space<vmem>>, vector<1x16xf32>,
      %get3A_269 = arith.index_cast %scan3A_172 : i32 to index
      %get3A_270 = arith.constant 112 : index
      %get3A_271 = tpu.vector_load %arg12[%get3A_269, %get3A_270] {strides = array<i32>} : memref<64x128xf32, #tpu.memory_space<vmem>>, vector<1x16xf32>,
      %get3A_272 = vector.shape_cast %get3A_271 : vector<1x16xf32> to vector<16xf32>
      %get3A_273 = arith.index_cast %scan3A_172 : i32 to index
      %get3A_274 = arith.constant 112 : index
      %get3A_275 = tpu.vector_load %arg13[%get3A_273, %get3A_274] {strides = array<i32>} : memref<64x128xf32, #tpu.memory_space<vmem>>, vector<1x16xf32>,
      %get3A_276 = vector.shape_cast %get3A_275 : vector<1x16xf32> to vector<16xf32>
      %add3A_277 = arith.addf %get3A_272, %get3A_276 : vector<16xf32>
      %swap3A_278 = arith.index_cast %scan3A_172 : i32 to index
      %swap3A_279 = arith.constant 112 : index
      %swap3A_280 = tpu.vector_load %arg15[%swap3A_278, %swap3A_279] {strides = array<i32>} : memref<64x192xf32, #tpu.memory_space<vmem>>, vector<1x16xf32>,
      %swap3A_281 = vector.shape_cast %swap3A_280 : vector<1x16xf32> to vector<16xf32>
      %swap3A_282 = vector.shape_cast %add3A_277 : vector<16xf32> to vector<1x16xf32>
      tpu.vector_store %arg15[%swap3A_278, %swap3A_279], %swap3A_282 {strides = array<i32>} : memref<64x192xf32, #tpu.memory_space<vmem>>, vector<1x16xf32>,
      %get3A_283 = arith.index_cast %scan3A_172 : i32 to index
      %get3A_284 = arith.constant 0 : index
      %get3A_285 = tpu.vector_load %arg14[%get3A_283, %get3A_284] {strides = array<i32>} : memref<64x128xf32, #tpu.memory_space<vmem>>, vector<1x16xf32>,
      %get3A_286 = vector.shape_cast %get3A_285 : vector<1x16xf32> to vector<16xf32>
      %swap3A_287 = arith.index_cast %scan3A_172 : i32 to index
      %swap3A_288 = arith.constant 128 : index
      %swap3A_289 = tpu.vector_load %arg15[%swap3A_287, %swap3A_288] {strides = array<i32>} : memref<64x192xf32, #tpu.memory_space<vmem>>, vector<1x16xf32>,
      %swap3A_290 = vector.shape_cast %swap3A_289 : vector<1x16xf32> to vector<16xf32>
      %swap3A_291 = vector.shape_cast %get3A_286 : vector<16xf32> to vector<1x16xf32>
      tpu.vector_store %arg15[%swap3A_287, %swap3A_288], %swap3A_291 {strides = array<i32>} : memref<64x192xf32, #tpu.memory_space<vmem>>, vector<1x16xf32>,
      %get3A_292 = arith.index_cast %scan3A_172 : i32 to index
      %get3A_293 = arith.constant 16 : index
      %get3A_294 = tpu.vector_load %arg14[%get3A_292, %get3A_293] {strides = array<i32>} : memref<64x128xf32, #tpu.memory_space<vmem>>, vector<1x16xf32>,
      %get3A_295 = vector.shape_cast %get3A_294 : vector<1x16xf32> to vector<16xf32>
      %swap3A_296 = arith.index_cast %scan3A_172 : i32 to index
      %swap3A_297 = arith.constant 144 : index
      %swap3A_298 = tpu.vector_load %arg15[%swap3A_296, %swap3A_297] {strides = array<i32>} : memref<64x192xf32, #tpu.memory_space<vmem>>, vector<1x16xf32>,
      %swap3A_299 = vector.shape_cast %swap3A_298 : vector<1x16xf32> to vector<16xf32>
      %swap3A_300 = vector.shape_cast %get3A_295 : vector<16xf32> to vector<1x16xf32>
      tpu.vector_store %arg15[%swap3A_296, %swap3A_297], %swap3A_300 {strides = array<i32>} : memref<64x192xf32, #tpu.memory_space<vmem>>, vector<1x16xf32>,
      %get3A_301 = arith.index_cast %scan3A_172 : i32 to index
      %get3A_302 = arith.constant 32 : index
      %get3A_303 = tpu.vector_load %arg14[%get3A_301, %get3A_302] {strides = array<i32>} : memref<64x128xf32, #tpu.memory_space<vmem>>, vector<1x16xf32>,
      %get3A_304 = vector.shape_cast %get3A_303 : vector<1x16xf32> to vector<16xf32>
      %swap3A_305 = arith.index_cast %scan3A_172 : i32 to index
      %swap3A_306 = arith.constant 160 : index
      %swap3A_307 = tpu.vector_load %arg15[%swap3A_305, %swap3A_306] {strides = array<i32>} : memref<64x192xf32, #tpu.memory_space<vmem>>, vector<1x16xf32>,
      %swap3A_308 = vector.shape_cast %swap3A_307 : vector<1x16xf32> to vector<16xf32>
      %swap3A_309 = vector.shape_cast %get3A_304 : vector<16xf32> to vector<1x16xf32>
      tpu.vector_store %arg15[%swap3A_305, %swap3A_306], %swap3A_309 {strides = array<i32>} : memref<64x192xf32, #tpu.memory_space<vmem>>, vector<1x16xf32>,
      %get3A_310 = arith.index_cast %scan3A_172 : i32 to index
      %get3A_311 = arith.constant 48 : index
      %get3A_312 = tpu.vector_load %arg14[%get3A_310, %get3A_311] {strides = array<i32>} : memref<64x128xf32, #tpu.memory_space<vmem>>, vector<1x16xf32>,
      %get3A_313 = vector.shape_cast %get3A_312 : vector<1x16xf32> to vector<16xf32>
      %swap3A_314 = arith.index_cast %scan3A_172 : i32 to index
      %swap3A_315 = arith.constant 176 : index
      %swap3A_316 = tpu.vector_load %arg15[%swap3A_314, %swap3A_315] {strides = array<i32>} : memref<64x192xf32, #tpu.memory_space<vmem>>, vector<1x16xf32>,
      %swap3A_317 = vector.shape_cast %swap3A_316 : vector<1x16xf32> to vector<16xf32>
      %swap3A_318 = vector.shape_cast %get3A_313 : vector<16xf32> to vector<1x16xf32>
      tpu.vector_store %arg15[%swap3A_314, %swap3A_315], %swap3A_318 {strides = array<i32>} : memref<64x192xf32, #tpu.memory_space<vmem>>, vector<1x16xf32>,
    }
    %scan3A_68 = arith.constant 64 : i32
    %add3A_69 = arith.constant 0 : i32
    %add3A_70 = arith.addi %mul3A_2, %add3A_69 : i32
    %mul3A_71 = arith.constant 64 : i32
    %mul3A_72 = arith.muli %add3A_70, %mul3A_71 : i32
    %dma_start3A_73 = arith.constant 0 : i32
    %dma_start3A_74 = tpu.memref_slice %arg8[%mul3A_72, %dma_start3A_73] : memref<204800x192xf32, #tpu.memory_space<hbm>> -> memref<64x192xf32, #tpu.memory_space<hbm>>
    %dma_start3A_75 = arith.constant 0 : i32
    %dma_start3A_76 = tpu.memref_slice %arg8[%mul3A_72, %dma_start3A_75] : memref<204800x192xf32, #tpu.memory_space<hbm>> -> memref<64x192xf32, #tpu.memory_space<hbm>>
    tpu.enqueue_dma source(%arg15 : memref<64x192xf32, #tpu.memory_space<vmem>>) target(%dma_start3A_76 : memref<64x192xf32, #tpu.memory_space<hbm>>) target_semaphore(%arg22 : memref<!tpu.dma_semaphore, #tpu.memory_space<semaphore_mem>>)
    %dma_start3A_77 = arith.constant 2 : i32
    %dma_start3A_78 = arith.constant 0 : i32
    %dma_start3A_79 = tpu.memref_slice %arg9[%dma_start3A_77, %dma_start3A_78] : memref<100x64xi32, #tpu.memory_space<vmem>> -> memref<1x64xi32, #tpu.memory_space<vmem>>
    %dma_start3A_80 = tpu.memref_squeeze %dma_start3A_79 : memref<1x64xi32, #tpu.memory_space<vmem>> -> memref<64xi32, #tpu.memory_space<vmem>>
    %dma_start3A_81 = arith.constant 0 : i32
    %dma_start3A_82 = arith.constant 0 : i32
    %dma_start3A_83 = tpu.memref_slice %arg5[%dma_start3A_81, %dma_start3A_82] : memref<100000x128xf32, #tpu.memory_space<hbm>> -> memref<100000x128xf32, #tpu.memory_space<hbm>>
    tpu.enqueue_indirect_dma source(%dma_start3A_83 : memref<100000x128xf32, #tpu.memory_space<hbm>>) target(%arg12 : memref<64x128xf32, #tpu.memory_space<vmem>>) offsets(%dma_start3A_80 : memref<64xi32, #tpu.memory_space<vmem>>) semaphore(%arg20 : memref<!tpu.dma_semaphore, #tpu.memory_space<semaphore_mem>>)
    %dma_start3A_84 = arith.constant 2 : i32
    %dma_start3A_85 = arith.constant 0 : i32
    %dma_start3A_86 = tpu.memref_slice %arg10[%dma_start3A_84, %dma_start3A_85] : memref<100x64xi32, #tpu.memory_space<vmem>> -> memref<1x64xi32, #tpu.memory_space<vmem>>
    %dma_start3A_87 = tpu.memref_squeeze %dma_start3A_86 : memref<1x64xi32, #tpu.memory_space<vmem>> -> memref<64xi32, #tpu.memory_space<vmem>>
    %dma_start3A_88 = arith.constant 0 : i32
    %dma_start3A_89 = arith.constant 0 : i32
    %dma_start3A_90 = tpu.memref_slice %arg6[%dma_start3A_88, %dma_start3A_89] : memref<1000000x128xf32, #tpu.memory_space<hbm>> -> memref<1000000x128xf32, #tpu.memory_space<hbm>>
    tpu.enqueue_indirect_dma source(%dma_start3A_90 : memref<1000000x128xf32, #tpu.memory_space<hbm>>) target(%arg13 : memref<64x128xf32, #tpu.memory_space<vmem>>) offsets(%dma_start3A_87 : memref<64xi32, #tpu.memory_space<vmem>>) semaphore(%arg20 : memref<!tpu.dma_semaphore, #tpu.memory_space<semaphore_mem>>)
    %dma_start3A_91 = arith.constant 2 : i32
    %dma_start3A_92 = arith.constant 0 : i32
    %dma_start3A_93 = tpu.memref_slice %arg11[%dma_start3A_91, %dma_start3A_92] : memref<100x64xi32, #tpu.memory_space<vmem>> -> memref<1x64xi32, #tpu.memory_space<vmem>>
    %dma_start3A_94 = tpu.memref_squeeze %dma_start3A_93 : memref<1x64xi32, #tpu.memory_space<vmem>> -> memref<64xi32, #tpu.memory_space<vmem>>
    %dma_start3A_95 = arith.constant 0 : i32
    %dma_start3A_96 = arith.constant 0 : i32
    %dma_start3A_97 = tpu.memref_slice %arg7[%dma_start3A_95, %dma_start3A_96] : memref<1000x128xf32, #tpu.memory_space<hbm>> -> memref<1000x128xf32, #tpu.memory_space<hbm>>
    tpu.enqueue_indirect_dma source(%dma_start3A_97 : memref<1000x128xf32, #tpu.memory_space<hbm>>) target(%arg14 : memref<64x128xf32, #tpu.memory_space<vmem>>) offsets(%dma_start3A_94 : memref<64xi32, #tpu.memory_space<vmem>>) semaphore(%arg20 : memref<!tpu.dma_semaphore, #tpu.memory_space<semaphore_mem>>)
    %dma_wait3A_98 = arith.constant 1 : i32
    %dma_wait3A_99 = arith.constant 0 : i32
    %dma_wait3A_100 = tpu.memref_slice %arg9[%dma_wait3A_98, %dma_wait3A_99] : memref<100x64xi32, #tpu.memory_space<vmem>> -> memref<1x64xi32, #tpu.memory_space<vmem>>
    %dma_wait3A_101 = tpu.memref_squeeze %dma_wait3A_100 : memref<1x64xi32, #tpu.memory_space<vmem>> -> memref<64xi32, #tpu.memory_space<vmem>>
    %dma_wait3A_102 = arith.constant 0 : i32
    %dma_wait3A_103 = arith.constant 0 : i32
    %dma_wait3A_104 = tpu.memref_slice %arg5[%dma_wait3A_102, %dma_wait3A_103] : memref<100000x128xf32, #tpu.memory_space<hbm>> -> memref<100000x128xf32, #tpu.memory_space<hbm>>
    tpu.wait_indirect_dma semaphore(%arg21 : memref<!tpu.dma_semaphore, #tpu.memory_space<semaphore_mem>>) src(%dma_wait3A_104 : memref<100000x128xf32, #tpu.memory_space<hbm>>) dst(%arg16 : memref<64x128xf32, #tpu.memory_space<vmem>>)
    %dma_wait3A_105 = arith.constant 1 : i32
    %dma_wait3A_106 = arith.constant 0 : i32
    %dma_wait3A_107 = tpu.memref_slice %arg10[%dma_wait3A_105, %dma_wait3A_106] : memref<100x64xi32, #tpu.memory_space<vmem>> -> memref<1x64xi32, #tpu.memory_space<vmem>>
    %dma_wait3A_108 = tpu.memref_squeeze %dma_wait3A_107 : memref<1x64xi32, #tpu.memory_space<vmem>> -> memref<64xi32, #tpu.memory_space<vmem>>
    %dma_wait3A_109 = arith.constant 0 : i32
    %dma_wait3A_110 = arith.constant 0 : i32
    %dma_wait3A_111 = tpu.memref_slice %arg6[%dma_wait3A_109, %dma_wait3A_110] : memref<1000000x128xf32, #tpu.memory_space<hbm>> -> memref<1000000x128xf32, #tpu.memory_space<hbm>>
    tpu.wait_indirect_dma semaphore(%arg21 : memref<!tpu.dma_semaphore, #tpu.memory_space<semaphore_mem>>) src(%dma_wait3A_111 : memref<1000000x128xf32, #tpu.memory_space<hbm>>) dst(%arg17 : memref<64x128xf32, #tpu.memory_space<vmem>>)
    %dma_wait3A_112 = arith.constant 1 : i32
    %dma_wait3A_113 = arith.constant 0 : i32
    %dma_wait3A_114 = tpu.memref_slice %arg11[%dma_wait3A_112, %dma_wait3A_113] : memref<100x64xi32, #tpu.memory_space<vmem>> -> memref<1x64xi32, #tpu.memory_space<vmem>>
    %dma_wait3A_115 = tpu.memref_squeeze %dma_wait3A_114 : memref<1x64xi32, #tpu.memory_space<vmem>> -> memref<64xi32, #tpu.memory_space<vmem>>
    %dma_wait3A_116 = arith.constant 0 : i32
    %dma_wait3A_117 = arith.constant 0 : i32
    %dma_wait3A_118 = tpu.memref_slice %arg7[%dma_wait3A_116, %dma_wait3A_117] : memref<1000x128xf32, #tpu.memory_space<hbm>> -> memref<1000x128xf32, #tpu.memory_space<hbm>>
    tpu.wait_indirect_dma semaphore(%arg21 : memref<!tpu.dma_semaphore, #tpu.memory_space<semaphore_mem>>) src(%dma_wait3A_118 : memref<1000x128xf32, #tpu.memory_space<hbm>>) dst(%arg18 : memref<64x128xf32, #tpu.memory_space<vmem>>)
    %scan3A_119 = arith.constant 0 : i32
    %scan3A_120 = arith.constant 0 : i32
    %scan3A_121 = arith.constant 64 : i32
    %scan3A_122 = arith.addi %scan3A_120, %scan3A_121 : i32
    %scan3A_123 = arith.constant 1 : i32
    scf.for %scan3A_172 = %scan3A_120 to %scan3A_122 step %scan3A_123  : i32 {
      %get3A = arith.index_cast %scan3A_172 : i32 to index
      %get3A_173 = arith.constant 0 : index
      %get3A_174 = tpu.vector_load %arg16[%get3A, %get3A_173] {strides = array<i32>} : memref<64x128xf32, #tpu.memory_space<vmem>>, vector<1x16xf32>,
      %get3A_175 = vector.shape_cast %get3A_174 : vector<1x16xf32> to vector<16xf32>
      %get3A_176 = arith.index_cast %scan3A_172 : i32 to index
      %get3A_177 = arith.constant 0 : index
      %get3A_178 = tpu.vector_load %arg17[%get3A_176, %get3A_177] {strides = array<i32>} : memref<64x128xf32, #tpu.memory_space<vmem>>, vector<1x16xf32>,
      %get3A_179 = vector.shape_cast %get3A_178 : vector<1x16xf32> to vector<16xf32>
      %add3A_180 = arith.addf %get3A_175, %get3A_179 : vector<16xf32>
      %swap3A = arith.index_cast %scan3A_172 : i32 to index
      %swap3A_181 = arith.constant 0 : index
      %swap3A_182 = tpu.vector_load %arg19[%swap3A, %swap3A_181] {strides = array<i32>} : memref<64x192xf32, #tpu.memory_space<vmem>>, vector<1x16xf32>,
      %swap3A_183 = vector.shape_cast %swap3A_182 : vector<1x16xf32> to vector<16xf32>
      %swap3A_184 = vector.shape_cast %add3A_180 : vector<16xf32> to vector<1x16xf32>
      tpu.vector_store %arg19[%swap3A, %swap3A_181], %swap3A_184 {strides = array<i32>} : memref<64x192xf32, #tpu.memory_space<vmem>>, vector<1x16xf32>,
      %get3A_185 = arith.index_cast %scan3A_172 : i32 to index
      %get3A_186 = arith.constant 16 : index
      %get3A_187 = tpu.vector_load %arg16[%get3A_185, %get3A_186] {strides = array<i32>} : memref<64x128xf32, #tpu.memory_space<vmem>>, vector<1x16xf32>,
      %get3A_188 = vector.shape_cast %get3A_187 : vector<1x16xf32> to vector<16xf32>
      %get3A_189 = arith.index_cast %scan3A_172 : i32 to index
      %get3A_190 = arith.constant 16 : index
      %get3A_191 = tpu.vector_load %arg17[%get3A_189, %get3A_190] {strides = array<i32>} : memref<64x128xf32, #tpu.memory_space<vmem>>, vector<1x16xf32>,
      %get3A_192 = vector.shape_cast %get3A_191 : vector<1x16xf32> to vector<16xf32>
      %add3A_193 = arith.addf %get3A_188, %get3A_192 : vector<16xf32>
      %swap3A_194 = arith.index_cast %scan3A_172 : i32 to index
      %swap3A_195 = arith.constant 16 : index
      %swap3A_196 = tpu.vector_load %arg19[%swap3A_194, %swap3A_195] {strides = array<i32>} : memref<64x192xf32, #tpu.memory_space<vmem>>, vector<1x16xf32>,
      %swap3A_197 = vector.shape_cast %swap3A_196 : vector<1x16xf32> to vector<16xf32>
      %swap3A_198 = vector.shape_cast %add3A_193 : vector<16xf32> to vector<1x16xf32>
      tpu.vector_store %arg19[%swap3A_194, %swap3A_195], %swap3A_198 {strides = array<i32>} : memref<64x192xf32, #tpu.memory_space<vmem>>, vector<1x16xf32>,
      %get3A_199 = arith.index_cast %scan3A_172 : i32 to index
      %get3A_200 = arith.constant 32 : index
      %get3A_201 = tpu.vector_load %arg16[%get3A_199, %get3A_200] {strides = array<i32>} : memref<64x128xf32, #tpu.memory_space<vmem>>, vector<1x16xf32>,
      %get3A_202 = vector.shape_cast %get3A_201 : vector<1x16xf32> to vector<16xf32>
      %get3A_203 = arith.index_cast %scan3A_172 : i32 to index
      %get3A_204 = arith.constant 32 : index
      %get3A_205 = tpu.vector_load %arg17[%get3A_203, %get3A_204] {strides = array<i32>} : memref<64x128xf32, #tpu.memory_space<vmem>>, vector<1x16xf32>,
      %get3A_206 = vector.shape_cast %get3A_205 : vector<1x16xf32> to vector<16xf32>
      %add3A_207 = arith.addf %get3A_202, %get3A_206 : vector<16xf32>
      %swap3A_208 = arith.index_cast %scan3A_172 : i32 to index
      %swap3A_209 = arith.constant 32 : index
      %swap3A_210 = tpu.vector_load %arg19[%swap3A_208, %swap3A_209] {strides = array<i32>} : memref<64x192xf32, #tpu.memory_space<vmem>>, vector<1x16xf32>,
      %swap3A_211 = vector.shape_cast %swap3A_210 : vector<1x16xf32> to vector<16xf32>
      %swap3A_212 = vector.shape_cast %add3A_207 : vector<16xf32> to vector<1x16xf32>
      tpu.vector_store %arg19[%swap3A_208, %swap3A_209], %swap3A_212 {strides = array<i32>} : memref<64x192xf32, #tpu.memory_space<vmem>>, vector<1x16xf32>,
      %get3A_213 = arith.index_cast %scan3A_172 : i32 to index
      %get3A_214 = arith.constant 48 : index
      %get3A_215 = tpu.vector_load %arg16[%get3A_213, %get3A_214] {strides = array<i32>} : memref<64x128xf32, #tpu.memory_space<vmem>>, vector<1x16xf32>,
      %get3A_216 = vector.shape_cast %get3A_215 : vector<1x16xf32> to vector<16xf32>
      %get3A_217 = arith.index_cast %scan3A_172 : i32 to index
      %get3A_218 = arith.constant 48 : index
      %get3A_219 = tpu.vector_load %arg17[%get3A_217, %get3A_218] {strides = array<i32>} : memref<64x128xf32, #tpu.memory_space<vmem>>, vector<1x16xf32>,
      %get3A_220 = vector.shape_cast %get3A_219 : vector<1x16xf32> to vector<16xf32>
      %add3A_221 = arith.addf %get3A_216, %get3A_220 : vector<16xf32>
      %swap3A_222 = arith.index_cast %scan3A_172 : i32 to index
      %swap3A_223 = arith.constant 48 : index
      %swap3A_224 = tpu.vector_load %arg19[%swap3A_222, %swap3A_223] {strides = array<i32>} : memref<64x192xf32, #tpu.memory_space<vmem>>, vector<1x16xf32>,
      %swap3A_225 = vector.shape_cast %swap3A_224 : vector<1x16xf32> to vector<16xf32>
      %swap3A_226 = vector.shape_cast %add3A_221 : vector<16xf32> to vector<1x16xf32>
      tpu.vector_store %arg19[%swap3A_222, %swap3A_223], %swap3A_226 {strides = array<i32>} : memref<64x192xf32, #tpu.memory_space<vmem>>, vector<1x16xf32>,
      %get3A_227 = arith.index_cast %scan3A_172 : i32 to index
      %get3A_228 = arith.constant 64 : index
      %get3A_229 = tpu.vector_load %arg16[%get3A_227, %get3A_228] {strides = array<i32>} : memref<64x128xf32, #tpu.memory_space<vmem>>, vector<1x16xf32>,
      %get3A_230 = vector.shape_cast %get3A_229 : vector<1x16xf32> to vector<16xf32>
      %get3A_231 = arith.index_cast %scan3A_172 : i32 to index
      %get3A_232 = arith.constant 64 : index
      %get3A_233 = tpu.vector_load %arg17[%get3A_231, %get3A_232] {strides = array<i32>} : memref<64x128xf32, #tpu.memory_space<vmem>>, vector<1x16xf32>,
      %get3A_234 = vector.shape_cast %get3A_233 : vector<1x16xf32> to vector<16xf32>
      %add3A_235 = arith.addf %get3A_230, %get3A_234 : vector<16xf32>
      %swap3A_236 = arith.index_cast %scan3A_172 : i32 to index
      %swap3A_237 = arith.constant 64 : index
      %swap3A_238 = tpu.vector_load %arg19[%swap3A_236, %swap3A_237] {strides = array<i32>} : memref<64x192xf32, #tpu.memory_space<vmem>>, vector<1x16xf32>,
      %swap3A_239 = vector.shape_cast %swap3A_238 : vector<1x16xf32> to vector<16xf32>
      %swap3A_240 = vector.shape_cast %add3A_235 : vector<16xf32> to vector<1x16xf32>
      tpu.vector_store %arg19[%swap3A_236, %swap3A_237], %swap3A_240 {strides = array<i32>} : memref<64x192xf32, #tpu.memory_space<vmem>>, vector<1x16xf32>,
      %get3A_241 = arith.index_cast %scan3A_172 : i32 to index
      %get3A_242 = arith.constant 80 : index
      %get3A_243 = tpu.vector_load %arg16[%get3A_241, %get3A_242] {strides = array<i32>} : memref<64x128xf32, #tpu.memory_space<vmem>>, vector<1x16xf32>,
      %get3A_244 = vector.shape_cast %get3A_243 : vector<1x16xf32> to vector<16xf32>
      %get3A_245 = arith.index_cast %scan3A_172 : i32 to index
      %get3A_246 = arith.constant 80 : index
      %get3A_247 = tpu.vector_load %arg17[%get3A_245, %get3A_246] {strides = array<i32>} : memref<64x128xf32, #tpu.memory_space<vmem>>, vector<1x16xf32>,
      %get3A_248 = vector.shape_cast %get3A_247 : vector<1x16xf32> to vector<16xf32>
      %add3A_249 = arith.addf %get3A_244, %get3A_248 : vector<16xf32>
      %swap3A_250 = arith.index_cast %scan3A_172 : i32 to index
      %swap3A_251 = arith.constant 80 : index
      %swap3A_252 = tpu.vector_load %arg19[%swap3A_250, %swap3A_251] {strides = array<i32>} : memref<64x192xf32, #tpu.memory_space<vmem>>, vector<1x16xf32>,
      %swap3A_253 = vector.shape_cast %swap3A_252 : vector<1x16xf32> to vector<16xf32>
      %swap3A_254 = vector.shape_cast %add3A_249 : vector<16xf32> to vector<1x16xf32>
      tpu.vector_store %arg19[%swap3A_250, %swap3A_251], %swap3A_254 {strides = array<i32>} : memref<64x192xf32, #tpu.memory_space<vmem>>, vector<1x16xf32>,
      %get3A_255 = arith.index_cast %scan3A_172 : i32 to index
      %get3A_256 = arith.constant 96 : index
      %get3A_257 = tpu.vector_load %arg16[%get3A_255, %get3A_256] {strides = array<i32>} : memref<64x128xf32, #tpu.memory_space<vmem>>, vector<1x16xf32>,
      %get3A_258 = vector.shape_cast %get3A_257 : vector<1x16xf32> to vector<16xf32>
      %get3A_259 = arith.index_cast %scan3A_172 : i32 to index
      %get3A_260 = arith.constant 96 : index
      %get3A_261 = tpu.vector_load %arg17[%get3A_259, %get3A_260] {strides = array<i32>} : memref<64x128xf32, #tpu.memory_space<vmem>>, vector<1x16xf32>,
      %get3A_262 = vector.shape_cast %get3A_261 : vector<1x16xf32> to vector<16xf32>
      %add3A_263 = arith.addf %get3A_258, %get3A_262 : vector<16xf32>
      %swap3A_264 = arith.index_cast %scan3A_172 : i32 to index
      %swap3A_265 = arith.constant 96 : index
      %swap3A_266 = tpu.vector_load %arg19[%swap3A_264, %swap3A_265] {strides = array<i32>} : memref<64x192xf32, #tpu.memory_space<vmem>>, vector<1x16xf32>,
      %swap3A_267 = vector.shape_cast %swap3A_266 : vector<1x16xf32> to vector<16xf32>
      %swap3A_268 = vector.shape_cast %add3A_263 : vector<16xf32> to vector<1x16xf32>
      tpu.vector_store %arg19[%swap3A_264, %swap3A_265], %swap3A_268 {strides = array<i32>} : memref<64x192xf32, #tpu.memory_space<vmem>>, vector<1x16xf32>,
      %get3A_269 = arith.index_cast %scan3A_172 : i32 to index
      %get3A_270 = arith.constant 112 : index
      %get3A_271 = tpu.vector_load %arg16[%get3A_269, %get3A_270] {strides = array<i32>} : memref<64x128xf32, #tpu.memory_space<vmem>>, vector<1x16xf32>,
      %get3A_272 = vector.shape_cast %get3A_271 : vector<1x16xf32> to vector<16xf32>
      %get3A_273 = arith.index_cast %scan3A_172 : i32 to index
      %get3A_274 = arith.constant 112 : index
      %get3A_275 = tpu.vector_load %arg17[%get3A_273, %get3A_274] {strides = array<i32>} : memref<64x128xf32, #tpu.memory_space<vmem>>, vector<1x16xf32>,
      %get3A_276 = vector.shape_cast %get3A_275 : vector<1x16xf32> to vector<16xf32>
      %add3A_277 = arith.addf %get3A_272, %get3A_276 : vector<16xf32>
      %swap3A_278 = arith.index_cast %scan3A_172 : i32 to index
      %swap3A_279 = arith.constant 112 : index
      %swap3A_280 = tpu.vector_load %arg19[%swap3A_278, %swap3A_279] {strides = array<i32>} : memref<64x192xf32, #tpu.memory_space<vmem>>, vector<1x16xf32>,
      %swap3A_281 = vector.shape_cast %swap3A_280 : vector<1x16xf32> to vector<16xf32>
      %swap3A_282 = vector.shape_cast %add3A_277 : vector<16xf32> to vector<1x16xf32>
      tpu.vector_store %arg19[%swap3A_278, %swap3A_279], %swap3A_282 {strides = array<i32>} : memref<64x192xf32, #tpu.memory_space<vmem>>, vector<1x16xf32>,
      %get3A_283 = arith.index_cast %scan3A_172 : i32 to index
      %get3A_284 = arith.constant 0 : index
      %get3A_285 = tpu.vector_load %arg18[%get3A_283, %get3A_284] {strides = array<i32>} : memref<64x128xf32, #tpu.memory_space<vmem>>, vector<1x16xf32>,
      %get3A_286 = vector.shape_cast %get3A_285 : vector<1x16xf32> to vector<16xf32>
      %swap3A_287 = arith.index_cast %scan3A_172 : i32 to index
      %swap3A_288 = arith.constant 128 : index
      %swap3A_289 = tpu.vector_load %arg19[%swap3A_287, %swap3A_288] {strides = array<i32>} : memref<64x192xf32, #tpu.memory_space<vmem>>, vector<1x16xf32>,
      %swap3A_290 = vector.shape_cast %swap3A_289 : vector<1x16xf32> to vector<16xf32>
      %swap3A_291 = vector.shape_cast %get3A_286 : vector<16xf32> to vector<1x16xf32>
      tpu.vector_store %arg19[%swap3A_287, %swap3A_288], %swap3A_291 {strides = array<i32>} : memref<64x192xf32, #tpu.memory_space<vmem>>, vector<1x16xf32>,
      %get3A_292 = arith.index_cast %scan3A_172 : i32 to index
      %get3A_293 = arith.constant 16 : index
      %get3A_294 = tpu.vector_load %arg18[%get3A_292, %get3A_293] {strides = array<i32>} : memref<64x128xf32, #tpu.memory_space<vmem>>, vector<1x16xf32>,
      %get3A_295 = vector.shape_cast %get3A_294 : vector<1x16xf32> to vector<16xf32>
      %swap3A_296 = arith.index_cast %scan3A_172 : i32 to index
      %swap3A_297 = arith.constant 144 : index
      %swap3A_298 = tpu.vector_load %arg19[%swap3A_296, %swap3A_297] {strides = array<i32>} : memref<64x192xf32, #tpu.memory_space<vmem>>, vector<1x16xf32>,
      %swap3A_299 = vector.shape_cast %swap3A_298 : vector<1x16xf32> to vector<16xf32>
      %swap3A_300 = vector.shape_cast %get3A_295 : vector<16xf32> to vector<1x16xf32>
      tpu.vector_store %arg19[%swap3A_296, %swap3A_297], %swap3A_300 {strides = array<i32>} : memref<64x192xf32, #tpu.memory_space<vmem>>, vector<1x16xf32>,
      %get3A_301 = arith.index_cast %scan3A_172 : i32 to index
      %get3A_302 = arith.constant 32 : index
      %get3A_303 = tpu.vector_load %arg18[%get3A_301, %get3A_302] {strides = array<i32>} : memref<64x128xf32, #tpu.memory_space<vmem>>, vector<1x16xf32>,
      %get3A_304 = vector.shape_cast %get3A_303 : vector<1x16xf32> to vector<16xf32>
      %swap3A_305 = arith.index_cast %scan3A_172 : i32 to index
      %swap3A_306 = arith.constant 160 : index
      %swap3A_307 = tpu.vector_load %arg19[%swap3A_305, %swap3A_306] {strides = array<i32>} : memref<64x192xf32, #tpu.memory_space<vmem>>, vector<1x16xf32>,
      %swap3A_308 = vector.shape_cast %swap3A_307 : vector<1x16xf32> to vector<16xf32>
      %swap3A_309 = vector.shape_cast %get3A_304 : vector<16xf32> to vector<1x16xf32>
      tpu.vector_store %arg19[%swap3A_305, %swap3A_306], %swap3A_309 {strides = array<i32>} : memref<64x192xf32, #tpu.memory_space<vmem>>, vector<1x16xf32>,
      %get3A_310 = arith.index_cast %scan3A_172 : i32 to index
      %get3A_311 = arith.constant 48 : index
      %get3A_312 = tpu.vector_load %arg18[%get3A_310, %get3A_311] {strides = array<i32>} : memref<64x128xf32, #tpu.memory_space<vmem>>, vector<1x16xf32>,
      %get3A_313 = vector.shape_cast %get3A_312 : vector<1x16xf32> to vector<16xf32>
      %swap3A_314 = arith.index_cast %scan3A_172 : i32 to index
      %swap3A_315 = arith.constant 176 : index
      %swap3A_316 = tpu.vector_load %arg19[%swap3A_314, %swap3A_315] {strides = array<i32>} : memref<64x192xf32, #tpu.memory_space<vmem>>, vector<1x16xf32>,
      %swap3A_317 = vector.shape_cast %swap3A_316 : vector<1x16xf32> to vector<16xf32>
      %swap3A_318 = vector.shape_cast %get3A_313 : vector<16xf32> to vector<1x16xf32>
      tpu.vector_store %arg19[%swap3A_314, %swap3A_315], %swap3A_318 {strides = array<i32>} : memref<64x192xf32, #tpu.memory_space<vmem>>, vector<1x16xf32>,
    }
    %scan3A_124 = arith.constant 64 : i32
    %add3A_125 = arith.constant 1 : i32
    %add3A_126 = arith.addi %mul3A_2, %add3A_125 : i32
    %mul3A_127 = arith.constant 64 : i32
    %mul3A_128 = arith.muli %add3A_126, %mul3A_127 : i32
    %dma_start3A_129 = arith.constant 0 : i32
    %dma_start3A_130 = tpu.memref_slice %arg8[%mul3A_128, %dma_start3A_129] : memref<204800x192xf32, #tpu.memory_space<hbm>> -> memref<64x192xf32, #tpu.memory_space<hbm>>
    %dma_start3A_131 = arith.constant 0 : i32
    %dma_start3A_132 = tpu.memref_slice %arg8[%mul3A_128, %dma_start3A_131] : memref<204800x192xf32, #tpu.memory_space<hbm>> -> memref<64x192xf32, #tpu.memory_space<hbm>>
    tpu.enqueue_dma source(%arg19 : memref<64x192xf32, #tpu.memory_space<vmem>>) target(%dma_start3A_132 : memref<64x192xf32, #tpu.memory_space<hbm>>) target_semaphore(%arg23 : memref<!tpu.dma_semaphore, #tpu.memory_space<semaphore_mem>>)
    %dma_start3A_133 = arith.constant 3 : i32
    %dma_start3A_134 = arith.constant 0 : i32
    %dma_start3A_135 = tpu.memref_slice %arg9[%dma_start3A_133, %dma_start3A_134] : memref<100x64xi32, #tpu.memory_space<vmem>> -> memref<1x64xi32, #tpu.memory_space<vmem>>
    %dma_start3A_136 = tpu.memref_squeeze %dma_start3A_135 : memref<1x64xi32, #tpu.memory_space<vmem>> -> memref<64xi32, #tpu.memory_space<vmem>>
    %dma_start3A_137 = arith.constant 0 : i32
    %dma_start3A_138 = arith.constant 0 : i32
    %dma_start3A_139 = tpu.memref_slice %arg5[%dma_start3A_137, %dma_start3A_138] : memref<100000x128xf32, #tpu.memory_space<hbm>> -> memref<100000x128xf32, #tpu.memory_space<hbm>>
    tpu.enqueue_indirect_dma source(%dma_start3A_139 : memref<100000x128xf32, #tpu.memory_space<hbm>>) target(%arg16 : memref<64x128xf32, #tpu.memory_space<vmem>>) offsets(%dma_start3A_136 : memref<64xi32, #tpu.memory_space<vmem>>) semaphore(%arg21 : memref<!tpu.dma_semaphore, #tpu.memory_space<semaphore_mem>>)
    %dma_start3A_140 = arith.constant 3 : i32
    %dma_start3A_141 = arith.constant 0 : i32
    %dma_start3A_142 = tpu.memref_slice %arg10[%dma_start3A_140, %dma_start3A_141] : memref<100x64xi32, #tpu.memory_space<vmem>> -> memref<1x64xi32, #tpu.memory_space<vmem>>
    %dma_start3A_143 = tpu.memref_squeeze %dma_start3A_142 : memref<1x64xi32, #tpu.memory_space<vmem>> -> memref<64xi32, #tpu.memory_space<vmem>>
    %dma_start3A_144 = arith.constant 0 : i32
    %dma_start3A_145 = arith.constant 0 : i32
    %dma_start3A_146 = tpu.memref_slice %arg6[%dma_start3A_144, %dma_start3A_145] : memref<1000000x128xf32, #tpu.memory_space<hbm>> -> memref<1000000x128xf32, #tpu.memory_space<hbm>>
    tpu.enqueue_indirect_dma source(%dma_start3A_146 : memref<1000000x128xf32, #tpu.memory_space<hbm>>) target(%arg17 : memref<64x128xf32, #tpu.memory_space<vmem>>) offsets(%dma_start3A_143 : memref<64xi32, #tpu.memory_space<vmem>>) semaphore(%arg21 : memref<!tpu.dma_semaphore, #tpu.memory_space<semaphore_mem>>)
    %dma_start3A_147 = arith.constant 3 : i32
    %dma_start3A_148 = arith.constant 0 : i32
    %dma_start3A_149 = tpu.memref_slice %arg11[%dma_start3A_147, %dma_start3A_148] : memref<100x64xi32, #tpu.memory_space<vmem>> -> memref<1x64xi32, #tpu.memory_space<vmem>>
    %dma_start3A_150 = tpu.memref_squeeze %dma_start3A_149 : memref<1x64xi32, #tpu.memory_space<vmem>> -> memref<64xi32, #tpu.memory_space<vmem>>
    %dma_start3A_151 = arith.constant 0 : i32
    %dma_start3A_152 = arith.constant 0 : i32
    %dma_start3A_153 = tpu.memref_slice %arg7[%dma_start3A_151, %dma_start3A_152] : memref<1000x128xf32, #tpu.memory_space<hbm>> -> memref<1000x128xf32, #tpu.memory_space<hbm>>
    tpu.enqueue_indirect_dma source(%dma_start3A_153 : memref<1000x128xf32, #tpu.memory_space<hbm>>) target(%arg18 : memref<64x128xf32, #tpu.memory_space<vmem>>) offsets(%dma_start3A_150 : memref<64xi32, #tpu.memory_space<vmem>>) semaphore(%arg21 : memref<!tpu.dma_semaphore, #tpu.memory_space<semaphore_mem>>)
    %scan3A_154 = arith.constant 0 : i32
    %scan3A_155 = arith.constant 1 : i32
    %scan3A_156 = arith.constant 49 : i32
    %scan3A_157 = arith.addi %scan3A_155, %scan3A_156 : i32
    %scan3A_158 = arith.constant 1 : i32
    scf.for %scan3A_172 = %scan3A_155 to %scan3A_157 step %scan3A_158  : i32 {
      %mul3A_173 = arith.constant 2 : i32
      %mul3A_174 = arith.muli %scan3A_172, %mul3A_173 : i32
      %dma_wait3A_175 = arith.constant 0 : i32
      %dma_wait3A_176 = tpu.memref_slice %arg9[%mul3A_174, %dma_wait3A_175] : memref<100x64xi32, #tpu.memory_space<vmem>> -> memref<1x64xi32, #tpu.memory_space<vmem>>
      %dma_wait3A_177 = tpu.memref_squeeze %dma_wait3A_176 : memref<1x64xi32, #tpu.memory_space<vmem>> -> memref<64xi32, #tpu.memory_space<vmem>>
      %dma_wait3A_178 = arith.constant 0 : i32
      %dma_wait3A_179 = arith.constant 0 : i32
      %dma_wait3A_180 = tpu.memref_slice %arg5[%dma_wait3A_178, %dma_wait3A_179] : memref<100000x128xf32, #tpu.memory_space<hbm>> -> memref<100000x128xf32, #tpu.memory_space<hbm>>
      tpu.wait_indirect_dma semaphore(%arg20 : memref<!tpu.dma_semaphore, #tpu.memory_space<semaphore_mem>>) src(%dma_wait3A_180 : memref<100000x128xf32, #tpu.memory_space<hbm>>) dst(%arg12 : memref<64x128xf32, #tpu.memory_space<vmem>>)
      %dma_wait3A_181 = arith.constant 0 : i32
      %dma_wait3A_182 = tpu.memref_slice %arg10[%mul3A_174, %dma_wait3A_181] : memref<100x64xi32, #tpu.memory_space<vmem>> -> memref<1x64xi32, #tpu.memory_space<vmem>>
      %dma_wait3A_183 = tpu.memref_squeeze %dma_wait3A_182 : memref<1x64xi32, #tpu.memory_space<vmem>> -> memref<64xi32, #tpu.memory_space<vmem>>
      %dma_wait3A_184 = arith.constant 0 : i32
      %dma_wait3A_185 = arith.constant 0 : i32
      %dma_wait3A_186 = tpu.memref_slice %arg6[%dma_wait3A_184, %dma_wait3A_185] : memref<1000000x128xf32, #tpu.memory_space<hbm>> -> memref<1000000x128xf32, #tpu.memory_space<hbm>>
      tpu.wait_indirect_dma semaphore(%arg20 : memref<!tpu.dma_semaphore, #tpu.memory_space<semaphore_mem>>) src(%dma_wait3A_186 : memref<1000000x128xf32, #tpu.memory_space<hbm>>) dst(%arg13 : memref<64x128xf32, #tpu.memory_space<vmem>>)
      %dma_wait3A_187 = arith.constant 0 : i32
      %dma_wait3A_188 = tpu.memref_slice %arg11[%mul3A_174, %dma_wait3A_187] : memref<100x64xi32, #tpu.memory_space<vmem>> -> memref<1x64xi32, #tpu.memory_space<vmem>>
      %dma_wait3A_189 = tpu.memref_squeeze %dma_wait3A_188 : memref<1x64xi32, #tpu.memory_space<vmem>> -> memref<64xi32, #tpu.memory_space<vmem>>
      %dma_wait3A_190 = arith.constant 0 : i32
      %dma_wait3A_191 = arith.constant 0 : i32
      %dma_wait3A_192 = tpu.memref_slice %arg7[%dma_wait3A_190, %dma_wait3A_191] : memref<1000x128xf32, #tpu.memory_space<hbm>> -> memref<1000x128xf32, #tpu.memory_space<hbm>>
      tpu.wait_indirect_dma semaphore(%arg20 : memref<!tpu.dma_semaphore, #tpu.memory_space<semaphore_mem>>) src(%dma_wait3A_192 : memref<1000x128xf32, #tpu.memory_space<hbm>>) dst(%arg14 : memref<64x128xf32, #tpu.memory_space<vmem>>)
      %dma_wait3A_193 = arith.constant 0 : i32
      %dma_wait3A_194 = arith.constant 0 : i32
      %dma_wait3A_195 = tpu.memref_slice %arg8[%dma_wait3A_193, %dma_wait3A_194] : memref<204800x192xf32, #tpu.memory_space<hbm>> -> memref<64x192xf32, #tpu.memory_space<hbm>>
      %dma_wait3A_196 = arith.constant 0 : i32
      %dma_wait3A_197 = arith.constant 0 : i32
      %dma_wait3A_198 = tpu.memref_slice %arg8[%dma_wait3A_196, %dma_wait3A_197] : memref<204800x192xf32, #tpu.memory_space<hbm>> -> memref<64x192xf32, #tpu.memory_space<hbm>>
      tpu.wait_dma2 semaphore(%arg22 : memref<!tpu.dma_semaphore, #tpu.memory_space<semaphore_mem>>) src(%arg15 : memref<64x192xf32, #tpu.memory_space<vmem>>) dst(%dma_wait3A_198 : memref<64x192xf32, #tpu.memory_space<hbm>>)
      %scan3A_199 = arith.constant 0 : i32
      %scan3A_200 = arith.constant 0 : i32
      %scan3A_201 = arith.constant 64 : i32
      %scan3A_202 = arith.addi %scan3A_200, %scan3A_201 : i32
      %scan3A_203 = arith.constant 1 : i32
      scf.for %scan3A_262 = %scan3A_200 to %scan3A_202 step %scan3A_203  : i32 {
        %get3A = arith.index_cast %scan3A_262 : i32 to index
        %get3A_263 = arith.constant 0 : index
        %get3A_264 = tpu.vector_load %arg12[%get3A, %get3A_263] {strides = array<i32>} : memref<64x128xf32, #tpu.memory_space<vmem>>, vector<1x16xf32>,
        %get3A_265 = vector.shape_cast %get3A_264 : vector<1x16xf32> to vector<16xf32>
        %get3A_266 = arith.index_cast %scan3A_262 : i32 to index
        %get3A_267 = arith.constant 0 : index
        %get3A_268 = tpu.vector_load %arg13[%get3A_266, %get3A_267] {strides = array<i32>} : memref<64x128xf32, #tpu.memory_space<vmem>>, vector<1x16xf32>,
        %get3A_269 = vector.shape_cast %get3A_268 : vector<1x16xf32> to vector<16xf32>
        %add3A_270 = arith.addf %get3A_265, %get3A_269 : vector<16xf32>
        %swap3A = arith.index_cast %scan3A_262 : i32 to index
        %swap3A_271 = arith.constant 0 : index
        %swap3A_272 = tpu.vector_load %arg15[%swap3A, %swap3A_271] {strides = array<i32>} : memref<64x192xf32, #tpu.memory_space<vmem>>, vector<1x16xf32>,
        %swap3A_273 = vector.shape_cast %swap3A_272 : vector<1x16xf32> to vector<16xf32>
        %swap3A_274 = vector.shape_cast %add3A_270 : vector<16xf32> to vector<1x16xf32>
        tpu.vector_store %arg15[%swap3A, %swap3A_271], %swap3A_274 {strides = array<i32>} : memref<64x192xf32, #tpu.memory_space<vmem>>, vector<1x16xf32>,
        %get3A_275 = arith.index_cast %scan3A_262 : i32 to index
        %get3A_276 = arith.constant 16 : index
        %get3A_277 = tpu.vector_load %arg12[%get3A_275, %get3A_276] {strides = array<i32>} : memref<64x128xf32, #tpu.memory_space<vmem>>, vector<1x16xf32>,
        %get3A_278 = vector.shape_cast %get3A_277 : vector<1x16xf32> to vector<16xf32>
        %get3A_279 = arith.index_cast %scan3A_262 : i32 to index
        %get3A_280 = arith.constant 16 : index
        %get3A_281 = tpu.vector_load %arg13[%get3A_279, %get3A_280] {strides = array<i32>} : memref<64x128xf32, #tpu.memory_space<vmem>>, vector<1x16xf32>,
        %get3A_282 = vector.shape_cast %get3A_281 : vector<1x16xf32> to vector<16xf32>
        %add3A_283 = arith.addf %get3A_278, %get3A_282 : vector<16xf32>
        %swap3A_284 = arith.index_cast %scan3A_262 : i32 to index
        %swap3A_285 = arith.constant 16 : index
        %swap3A_286 = tpu.vector_load %arg15[%swap3A_284, %swap3A_285] {strides = array<i32>} : memref<64x192xf32, #tpu.memory_space<vmem>>, vector<1x16xf32>,
        %swap3A_287 = vector.shape_cast %swap3A_286 : vector<1x16xf32> to vector<16xf32>
        %swap3A_288 = vector.shape_cast %add3A_283 : vector<16xf32> to vector<1x16xf32>
        tpu.vector_store %arg15[%swap3A_284, %swap3A_285], %swap3A_288 {strides = array<i32>} : memref<64x192xf32, #tpu.memory_space<vmem>>, vector<1x16xf32>,
        %get3A_289 = arith.index_cast %scan3A_262 : i32 to index
        %get3A_290 = arith.constant 32 : index
        %get3A_291 = tpu.vector_load %arg12[%get3A_289, %get3A_290] {strides = array<i32>} : memref<64x128xf32, #tpu.memory_space<vmem>>, vector<1x16xf32>,
        %get3A_292 = vector.shape_cast %get3A_291 : vector<1x16xf32> to vector<16xf32>
        %get3A_293 = arith.index_cast %scan3A_262 : i32 to index
        %get3A_294 = arith.constant 32 : index
        %get3A_295 = tpu.vector_load %arg13[%get3A_293, %get3A_294] {strides = array<i32>} : memref<64x128xf32, #tpu.memory_space<vmem>>, vector<1x16xf32>,
        %get3A_296 = vector.shape_cast %get3A_295 : vector<1x16xf32> to vector<16xf32>
        %add3A_297 = arith.addf %get3A_292, %get3A_296 : vector<16xf32>
        %swap3A_298 = arith.index_cast %scan3A_262 : i32 to index
        %swap3A_299 = arith.constant 32 : index
        %swap3A_300 = tpu.vector_load %arg15[%swap3A_298, %swap3A_299] {strides = array<i32>} : memref<64x192xf32, #tpu.memory_space<vmem>>, vector<1x16xf32>,
        %swap3A_301 = vector.shape_cast %swap3A_300 : vector<1x16xf32> to vector<16xf32>
        %swap3A_302 = vector.shape_cast %add3A_297 : vector<16xf32> to vector<1x16xf32>
        tpu.vector_store %arg15[%swap3A_298, %swap3A_299], %swap3A_302 {strides = array<i32>} : memref<64x192xf32, #tpu.memory_space<vmem>>, vector<1x16xf32>,
        %get3A_303 = arith.index_cast %scan3A_262 : i32 to index
        %get3A_304 = arith.constant 48 : index
        %get3A_305 = tpu.vector_load %arg12[%get3A_303, %get3A_304] {strides = array<i32>} : memref<64x128xf32, #tpu.memory_space<vmem>>, vector<1x16xf32>,
        %get3A_306 = vector.shape_cast %get3A_305 : vector<1x16xf32> to vector<16xf32>
        %get3A_307 = arith.index_cast %scan3A_262 : i32 to index
        %get3A_308 = arith.constant 48 : index
        %get3A_309 = tpu.vector_load %arg13[%get3A_307, %get3A_308] {strides = array<i32>} : memref<64x128xf32, #tpu.memory_space<vmem>>, vector<1x16xf32>,
        %get3A_310 = vector.shape_cast %get3A_309 : vector<1x16xf32> to vector<16xf32>
        %add3A_311 = arith.addf %get3A_306, %get3A_310 : vector<16xf32>
        %swap3A_312 = arith.index_cast %scan3A_262 : i32 to index
        %swap3A_313 = arith.constant 48 : index
        %swap3A_314 = tpu.vector_load %arg15[%swap3A_312, %swap3A_313] {strides = array<i32>} : memref<64x192xf32, #tpu.memory_space<vmem>>, vector<1x16xf32>,
        %swap3A_315 = vector.shape_cast %swap3A_314 : vector<1x16xf32> to vector<16xf32>
        %swap3A_316 = vector.shape_cast %add3A_311 : vector<16xf32> to vector<1x16xf32>
        tpu.vector_store %arg15[%swap3A_312, %swap3A_313], %swap3A_316 {strides = array<i32>} : memref<64x192xf32, #tpu.memory_space<vmem>>, vector<1x16xf32>,
        %get3A_317 = arith.index_cast %scan3A_262 : i32 to index
        %get3A_318 = arith.constant 64 : index
        %get3A_319 = tpu.vector_load %arg12[%get3A_317, %get3A_318] {strides = array<i32>} : memref<64x128xf32, #tpu.memory_space<vmem>>, vector<1x16xf32>,
        %get3A_320 = vector.shape_cast %get3A_319 : vector<1x16xf32> to vector<16xf32>
        %get3A_321 = arith.index_cast %scan3A_262 : i32 to index
        %get3A_322 = arith.constant 64 : index
        %get3A_323 = tpu.vector_load %arg13[%get3A_321, %get3A_322] {strides = array<i32>} : memref<64x128xf32, #tpu.memory_space<vmem>>, vector<1x16xf32>,
        %get3A_324 = vector.shape_cast %get3A_323 : vector<1x16xf32> to vector<16xf32>
        %add3A_325 = arith.addf %get3A_320, %get3A_324 : vector<16xf32>
        %swap3A_326 = arith.index_cast %scan3A_262 : i32 to index
        %swap3A_327 = arith.constant 64 : index
        %swap3A_328 = tpu.vector_load %arg15[%swap3A_326, %swap3A_327] {strides = array<i32>} : memref<64x192xf32, #tpu.memory_space<vmem>>, vector<1x16xf32>,
        %swap3A_329 = vector.shape_cast %swap3A_328 : vector<1x16xf32> to vector<16xf32>
        %swap3A_330 = vector.shape_cast %add3A_325 : vector<16xf32> to vector<1x16xf32>
        tpu.vector_store %arg15[%swap3A_326, %swap3A_327], %swap3A_330 {strides = array<i32>} : memref<64x192xf32, #tpu.memory_space<vmem>>, vector<1x16xf32>,
        %get3A_331 = arith.index_cast %scan3A_262 : i32 to index
        %get3A_332 = arith.constant 80 : index
        %get3A_333 = tpu.vector_load %arg12[%get3A_331, %get3A_332] {strides = array<i32>} : memref<64x128xf32, #tpu.memory_space<vmem>>, vector<1x16xf32>,
        %get3A_334 = vector.shape_cast %get3A_333 : vector<1x16xf32> to vector<16xf32>
        %get3A_335 = arith.index_cast %scan3A_262 : i32 to index
        %get3A_336 = arith.constant 80 : index
        %get3A_337 = tpu.vector_load %arg13[%get3A_335, %get3A_336] {strides = array<i32>} : memref<64x128xf32, #tpu.memory_space<vmem>>, vector<1x16xf32>,
        %get3A_338 = vector.shape_cast %get3A_337 : vector<1x16xf32> to vector<16xf32>
        %add3A_339 = arith.addf %get3A_334, %get3A_338 : vector<16xf32>
        %swap3A_340 = arith.index_cast %scan3A_262 : i32 to index
        %swap3A_341 = arith.constant 80 : index
        %swap3A_342 = tpu.vector_load %arg15[%swap3A_340, %swap3A_341] {strides = array<i32>} : memref<64x192xf32, #tpu.memory_space<vmem>>, vector<1x16xf32>,
        %swap3A_343 = vector.shape_cast %swap3A_342 : vector<1x16xf32> to vector<16xf32>
        %swap3A_344 = vector.shape_cast %add3A_339 : vector<16xf32> to vector<1x16xf32>
        tpu.vector_store %arg15[%swap3A_340, %swap3A_341], %swap3A_344 {strides = array<i32>} : memref<64x192xf32, #tpu.memory_space<vmem>>, vector<1x16xf32>,
        %get3A_345 = arith.index_cast %scan3A_262 : i32 to index
        %get3A_346 = arith.constant 96 : index
        %get3A_347 = tpu.vector_load %arg12[%get3A_345, %get3A_346] {strides = array<i32>} : memref<64x128xf32, #tpu.memory_space<vmem>>, vector<1x16xf32>,
        %get3A_348 = vector.shape_cast %get3A_347 : vector<1x16xf32> to vector<16xf32>
        %get3A_349 = arith.index_cast %scan3A_262 : i32 to index
        %get3A_350 = arith.constant 96 : index
        %get3A_351 = tpu.vector_load %arg13[%get3A_349, %get3A_350] {strides = array<i32>} : memref<64x128xf32, #tpu.memory_space<vmem>>, vector<1x16xf32>,
        %get3A_352 = vector.shape_cast %get3A_351 : vector<1x16xf32> to vector<16xf32>
        %add3A_353 = arith.addf %get3A_348, %get3A_352 : vector<16xf32>
        %swap3A_354 = arith.index_cast %scan3A_262 : i32 to index
        %swap3A_355 = arith.constant 96 : index
        %swap3A_356 = tpu.vector_load %arg15[%swap3A_354, %swap3A_355] {strides = array<i32>} : memref<64x192xf32, #tpu.memory_space<vmem>>, vector<1x16xf32>,
        %swap3A_357 = vector.shape_cast %swap3A_356 : vector<1x16xf32> to vector<16xf32>
        %swap3A_358 = vector.shape_cast %add3A_353 : vector<16xf32> to vector<1x16xf32>
        tpu.vector_store %arg15[%swap3A_354, %swap3A_355], %swap3A_358 {strides = array<i32>} : memref<64x192xf32, #tpu.memory_space<vmem>>, vector<1x16xf32>,
        %get3A_359 = arith.index_cast %scan3A_262 : i32 to index
        %get3A_360 = arith.constant 112 : index
        %get3A_361 = tpu.vector_load %arg12[%get3A_359, %get3A_360] {strides = array<i32>} : memref<64x128xf32, #tpu.memory_space<vmem>>, vector<1x16xf32>,
        %get3A_362 = vector.shape_cast %get3A_361 : vector<1x16xf32> to vector<16xf32>
        %get3A_363 = arith.index_cast %scan3A_262 : i32 to index
        %get3A_364 = arith.constant 112 : index
        %get3A_365 = tpu.vector_load %arg13[%get3A_363, %get3A_364] {strides = array<i32>} : memref<64x128xf32, #tpu.memory_space<vmem>>, vector<1x16xf32>,
        %get3A_366 = vector.shape_cast %get3A_365 : vector<1x16xf32> to vector<16xf32>
        %add3A_367 = arith.addf %get3A_362, %get3A_366 : vector<16xf32>
        %swap3A_368 = arith.index_cast %scan3A_262 : i32 to index
        %swap3A_369 = arith.constant 112 : index
        %swap3A_370 = tpu.vector_load %arg15[%swap3A_368, %swap3A_369] {strides = array<i32>} : memref<64x192xf32, #tpu.memory_space<vmem>>, vector<1x16xf32>,
        %swap3A_371 = vector.shape_cast %swap3A_370 : vector<1x16xf32> to vector<16xf32>
        %swap3A_372 = vector.shape_cast %add3A_367 : vector<16xf32> to vector<1x16xf32>
        tpu.vector_store %arg15[%swap3A_368, %swap3A_369], %swap3A_372 {strides = array<i32>} : memref<64x192xf32, #tpu.memory_space<vmem>>, vector<1x16xf32>,
        %get3A_373 = arith.index_cast %scan3A_262 : i32 to index
        %get3A_374 = arith.constant 0 : index
        %get3A_375 = tpu.vector_load %arg14[%get3A_373, %get3A_374] {strides = array<i32>} : memref<64x128xf32, #tpu.memory_space<vmem>>, vector<1x16xf32>,
        %get3A_376 = vector.shape_cast %get3A_375 : vector<1x16xf32> to vector<16xf32>
        %swap3A_377 = arith.index_cast %scan3A_262 : i32 to index
        %swap3A_378 = arith.constant 128 : index
        %swap3A_379 = tpu.vector_load %arg15[%swap3A_377, %swap3A_378] {strides = array<i32>} : memref<64x192xf32, #tpu.memory_space<vmem>>, vector<1x16xf32>,
        %swap3A_380 = vector.shape_cast %swap3A_379 : vector<1x16xf32> to vector<16xf32>
        %swap3A_381 = vector.shape_cast %get3A_376 : vector<16xf32> to vector<1x16xf32>
        tpu.vector_store %arg15[%swap3A_377, %swap3A_378], %swap3A_381 {strides = array<i32>} : memref<64x192xf32, #tpu.memory_space<vmem>>, vector<1x16xf32>,
        %get3A_382 = arith.index_cast %scan3A_262 : i32 to index
        %get3A_383 = arith.constant 16 : index
        %get3A_384 = tpu.vector_load %arg14[%get3A_382, %get3A_383] {strides = array<i32>} : memref<64x128xf32, #tpu.memory_space<vmem>>, vector<1x16xf32>,
        %get3A_385 = vector.shape_cast %get3A_384 : vector<1x16xf32> to vector<16xf32>
        %swap3A_386 = arith.index_cast %scan3A_262 : i32 to index
        %swap3A_387 = arith.constant 144 : index
        %swap3A_388 = tpu.vector_load %arg15[%swap3A_386, %swap3A_387] {strides = array<i32>} : memref<64x192xf32, #tpu.memory_space<vmem>>, vector<1x16xf32>,
        %swap3A_389 = vector.shape_cast %swap3A_388 : vector<1x16xf32> to vector<16xf32>
        %swap3A_390 = vector.shape_cast %get3A_385 : vector<16xf32> to vector<1x16xf32>
        tpu.vector_store %arg15[%swap3A_386, %swap3A_387], %swap3A_390 {strides = array<i32>} : memref<64x192xf32, #tpu.memory_space<vmem>>, vector<1x16xf32>,
        %get3A_391 = arith.index_cast %scan3A_262 : i32 to index
        %get3A_392 = arith.constant 32 : index
        %get3A_393 = tpu.vector_load %arg14[%get3A_391, %get3A_392] {strides = array<i32>} : memref<64x128xf32, #tpu.memory_space<vmem>>, vector<1x16xf32>,
        %get3A_394 = vector.shape_cast %get3A_393 : vector<1x16xf32> to vector<16xf32>
        %swap3A_395 = arith.index_cast %scan3A_262 : i32 to index
        %swap3A_396 = arith.constant 160 : index
        %swap3A_397 = tpu.vector_load %arg15[%swap3A_395, %swap3A_396] {strides = array<i32>} : memref<64x192xf32, #tpu.memory_space<vmem>>, vector<1x16xf32>,
        %swap3A_398 = vector.shape_cast %swap3A_397 : vector<1x16xf32> to vector<16xf32>
        %swap3A_399 = vector.shape_cast %get3A_394 : vector<16xf32> to vector<1x16xf32>
        tpu.vector_store %arg15[%swap3A_395, %swap3A_396], %swap3A_399 {strides = array<i32>} : memref<64x192xf32, #tpu.memory_space<vmem>>, vector<1x16xf32>,
        %get3A_400 = arith.index_cast %scan3A_262 : i32 to index
        %get3A_401 = arith.constant 48 : index
        %get3A_402 = tpu.vector_load %arg14[%get3A_400, %get3A_401] {strides = array<i32>} : memref<64x128xf32, #tpu.memory_space<vmem>>, vector<1x16xf32>,
        %get3A_403 = vector.shape_cast %get3A_402 : vector<1x16xf32> to vector<16xf32>
        %swap3A_404 = arith.index_cast %scan3A_262 : i32 to index
        %swap3A_405 = arith.constant 176 : index
        %swap3A_406 = tpu.vector_load %arg15[%swap3A_404, %swap3A_405] {strides = array<i32>} : memref<64x192xf32, #tpu.memory_space<vmem>>, vector<1x16xf32>,
        %swap3A_407 = vector.shape_cast %swap3A_406 : vector<1x16xf32> to vector<16xf32>
        %swap3A_408 = vector.shape_cast %get3A_403 : vector<16xf32> to vector<1x16xf32>
        tpu.vector_store %arg15[%swap3A_404, %swap3A_405], %swap3A_408 {strides = array<i32>} : memref<64x192xf32, #tpu.memory_space<vmem>>, vector<1x16xf32>,
      }
      %scan3A_204 = arith.constant 64 : i32
      %add3A_205 = arith.addi %mul3A_2, %mul3A_174 : i32
      %mul3A_206 = arith.constant 64 : i32
      %mul3A_207 = arith.muli %add3A_205, %mul3A_206 : i32
      %dma_start3A_208 = arith.constant 0 : i32
      %dma_start3A_209 = tpu.memref_slice %arg8[%mul3A_207, %dma_start3A_208] : memref<204800x192xf32, #tpu.memory_space<hbm>> -> memref<64x192xf32, #tpu.memory_space<hbm>>
      %dma_start3A_210 = arith.constant 0 : i32
      %dma_start3A_211 = tpu.memref_slice %arg8[%mul3A_207, %dma_start3A_210] : memref<204800x192xf32, #tpu.memory_space<hbm>> -> memref<64x192xf32, #tpu.memory_space<hbm>>
      tpu.enqueue_dma source(%arg15 : memref<64x192xf32, #tpu.memory_space<vmem>>) target(%dma_start3A_211 : memref<64x192xf32, #tpu.memory_space<hbm>>) target_semaphore(%arg22 : memref<!tpu.dma_semaphore, #tpu.memory_space<semaphore_mem>>)
      %add3A_212 = arith.constant 2 : i32
      %add3A_213 = arith.addi %mul3A_174, %add3A_212 : i32
      %lt3A = arith.constant 100 : i32
      %lt3A_214 = arith.cmpi slt, %add3A_213, %lt3A : i32
      %convert_element_type3A = arith.extui %lt3A_214 : i1 to i32
      %cond3A = arith.constant 0 : i32
      %cond3A_215 = arith.cmpi ne, %convert_element_type3A, %cond3A : i32
      scf.if %cond3A_215 {
        %add3A_262 = arith.constant 2 : i32
        %add3A_263 = arith.addi %mul3A_174, %add3A_262 : i32
        %dma_start3A_264 = arith.constant 0 : i32
        %dma_start3A_265 = tpu.memref_slice %arg9[%add3A_263, %dma_start3A_264] : memref<100x64xi32, #tpu.memory_space<vmem>> -> memref<1x64xi32, #tpu.memory_space<vmem>>
        %dma_start3A_266 = tpu.memref_squeeze %dma_start3A_265 : memref<1x64xi32, #tpu.memory_space<vmem>> -> memref<64xi32, #tpu.memory_space<vmem>>
        %dma_start3A_267 = arith.constant 0 : i32
        %dma_start3A_268 = arith.constant 0 : i32
        %dma_start3A_269 = tpu.memref_slice %arg5[%dma_start3A_267, %dma_start3A_268] : memref<100000x128xf32, #tpu.memory_space<hbm>> -> memref<100000x128xf32, #tpu.memory_space<hbm>>
        tpu.enqueue_indirect_dma source(%dma_start3A_269 : memref<100000x128xf32, #tpu.memory_space<hbm>>) target(%arg12 : memref<64x128xf32, #tpu.memory_space<vmem>>) offsets(%dma_start3A_266 : memref<64xi32, #tpu.memory_space<vmem>>) semaphore(%arg20 : memref<!tpu.dma_semaphore, #tpu.memory_space<semaphore_mem>>)
        %dma_start3A_270 = arith.constant 0 : i32
        %dma_start3A_271 = tpu.memref_slice %arg10[%add3A_263, %dma_start3A_270] : memref<100x64xi32, #tpu.memory_space<vmem>> -> memref<1x64xi32, #tpu.memory_space<vmem>>
        %dma_start3A_272 = tpu.memref_squeeze %dma_start3A_271 : memref<1x64xi32, #tpu.memory_space<vmem>> -> memref<64xi32, #tpu.memory_space<vmem>>
        %dma_start3A_273 = arith.constant 0 : i32
        %dma_start3A_274 = arith.constant 0 : i32
        %dma_start3A_275 = tpu.memref_slice %arg6[%dma_start3A_273, %dma_start3A_274] : memref<1000000x128xf32, #tpu.memory_space<hbm>> -> memref<1000000x128xf32, #tpu.memory_space<hbm>>
        tpu.enqueue_indirect_dma source(%dma_start3A_275 : memref<1000000x128xf32, #tpu.memory_space<hbm>>) target(%arg13 : memref<64x128xf32, #tpu.memory_space<vmem>>) offsets(%dma_start3A_272 : memref<64xi32, #tpu.memory_space<vmem>>) semaphore(%arg20 : memref<!tpu.dma_semaphore, #tpu.memory_space<semaphore_mem>>)
        %dma_start3A_276 = arith.constant 0 : i32
        %dma_start3A_277 = tpu.memref_slice %arg11[%add3A_263, %dma_start3A_276] : memref<100x64xi32, #tpu.memory_space<vmem>> -> memref<1x64xi32, #tpu.memory_space<vmem>>
        %dma_start3A_278 = tpu.memref_squeeze %dma_start3A_277 : memref<1x64xi32, #tpu.memory_space<vmem>> -> memref<64xi32, #tpu.memory_space<vmem>>
        %dma_start3A_279 = arith.constant 0 : i32
        %dma_start3A_280 = arith.constant 0 : i32
        %dma_start3A_281 = tpu.memref_slice %arg7[%dma_start3A_279, %dma_start3A_280] : memref<1000x128xf32, #tpu.memory_space<hbm>> -> memref<1000x128xf32, #tpu.memory_space<hbm>>
        tpu.enqueue_indirect_dma source(%dma_start3A_281 : memref<1000x128xf32, #tpu.memory_space<hbm>>) target(%arg14 : memref<64x128xf32, #tpu.memory_space<vmem>>) offsets(%dma_start3A_278 : memref<64xi32, #tpu.memory_space<vmem>>) semaphore(%arg20 : memref<!tpu.dma_semaphore, #tpu.memory_space<semaphore_mem>>)
      } else {
      }
      %add3A_216 = arith.constant 1 : i32
      %add3A_217 = arith.addi %mul3A_174, %add3A_216 : i32
      %dma_wait3A_218 = arith.constant 0 : i32
      %dma_wait3A_219 = tpu.memref_slice %arg9[%add3A_217, %dma_wait3A_218] : memref<100x64xi32, #tpu.memory_space<vmem>> -> memref<1x64xi32, #tpu.memory_space<vmem>>
      %dma_wait3A_220 = tpu.memref_squeeze %dma_wait3A_219 : memref<1x64xi32, #tpu.memory_space<vmem>> -> memref<64xi32, #tpu.memory_space<vmem>>
      %dma_wait3A_221 = arith.constant 0 : i32
      %dma_wait3A_222 = arith.constant 0 : i32
      %dma_wait3A_223 = tpu.memref_slice %arg5[%dma_wait3A_221, %dma_wait3A_222] : memref<100000x128xf32, #tpu.memory_space<hbm>> -> memref<100000x128xf32, #tpu.memory_space<hbm>>
      tpu.wait_indirect_dma semaphore(%arg21 : memref<!tpu.dma_semaphore, #tpu.memory_space<semaphore_mem>>) src(%dma_wait3A_223 : memref<100000x128xf32, #tpu.memory_space<hbm>>) dst(%arg16 : memref<64x128xf32, #tpu.memory_space<vmem>>)
      %dma_wait3A_224 = arith.constant 0 : i32
      %dma_wait3A_225 = tpu.memref_slice %arg10[%add3A_217, %dma_wait3A_224] : memref<100x64xi32, #tpu.memory_space<vmem>> -> memref<1x64xi32, #tpu.memory_space<vmem>>
      %dma_wait3A_226 = tpu.memref_squeeze %dma_wait3A_225 : memref<1x64xi32, #tpu.memory_space<vmem>> -> memref<64xi32, #tpu.memory_space<vmem>>
      %dma_wait3A_227 = arith.constant 0 : i32
      %dma_wait3A_228 = arith.constant 0 : i32
      %dma_wait3A_229 = tpu.memref_slice %arg6[%dma_wait3A_227, %dma_wait3A_228] : memref<1000000x128xf32, #tpu.memory_space<hbm>> -> memref<1000000x128xf32, #tpu.memory_space<hbm>>
      tpu.wait_indirect_dma semaphore(%arg21 : memref<!tpu.dma_semaphore, #tpu.memory_space<semaphore_mem>>) src(%dma_wait3A_229 : memref<1000000x128xf32, #tpu.memory_space<hbm>>) dst(%arg17 : memref<64x128xf32, #tpu.memory_space<vmem>>)
      %dma_wait3A_230 = arith.constant 0 : i32
      %dma_wait3A_231 = tpu.memref_slice %arg11[%add3A_217, %dma_wait3A_230] : memref<100x64xi32, #tpu.memory_space<vmem>> -> memref<1x64xi32, #tpu.memory_space<vmem>>
      %dma_wait3A_232 = tpu.memref_squeeze %dma_wait3A_231 : memref<1x64xi32, #tpu.memory_space<vmem>> -> memref<64xi32, #tpu.memory_space<vmem>>
      %dma_wait3A_233 = arith.constant 0 : i32
      %dma_wait3A_234 = arith.constant 0 : i32
      %dma_wait3A_235 = tpu.memref_slice %arg7[%dma_wait3A_233, %dma_wait3A_234] : memref<1000x128xf32, #tpu.memory_space<hbm>> -> memref<1000x128xf32, #tpu.memory_space<hbm>>
      tpu.wait_indirect_dma semaphore(%arg21 : memref<!tpu.dma_semaphore, #tpu.memory_space<semaphore_mem>>) src(%dma_wait3A_235 : memref<1000x128xf32, #tpu.memory_space<hbm>>) dst(%arg18 : memref<64x128xf32, #tpu.memory_space<vmem>>)
      %dma_wait3A_236 = arith.constant 0 : i32
      %dma_wait3A_237 = arith.constant 0 : i32
      %dma_wait3A_238 = tpu.memref_slice %arg8[%dma_wait3A_236, %dma_wait3A_237] : memref<204800x192xf32, #tpu.memory_space<hbm>> -> memref<64x192xf32, #tpu.memory_space<hbm>>
      %dma_wait3A_239 = arith.constant 0 : i32
      %dma_wait3A_240 = arith.constant 0 : i32
      %dma_wait3A_241 = tpu.memref_slice %arg8[%dma_wait3A_239, %dma_wait3A_240] : memref<204800x192xf32, #tpu.memory_space<hbm>> -> memref<64x192xf32, #tpu.memory_space<hbm>>
      tpu.wait_dma2 semaphore(%arg23 : memref<!tpu.dma_semaphore, #tpu.memory_space<semaphore_mem>>) src(%arg19 : memref<64x192xf32, #tpu.memory_space<vmem>>) dst(%dma_wait3A_241 : memref<64x192xf32, #tpu.memory_space<hbm>>)
      %scan3A_242 = arith.constant 0 : i32
      %scan3A_243 = arith.constant 0 : i32
      %scan3A_244 = arith.constant 64 : i32
      %scan3A_245 = arith.addi %scan3A_243, %scan3A_244 : i32
      %scan3A_246 = arith.constant 1 : i32
      scf.for %scan3A_262 = %scan3A_243 to %scan3A_245 step %scan3A_246  : i32 {
        %get3A = arith.index_cast %scan3A_262 : i32 to index
        %get3A_263 = arith.constant 0 : index
        %get3A_264 = tpu.vector_load %arg16[%get3A, %get3A_263] {strides = array<i32>} : memref<64x128xf32, #tpu.memory_space<vmem>>, vector<1x16xf32>,
        %get3A_265 = vector.shape_cast %get3A_264 : vector<1x16xf32> to vector<16xf32>
        %get3A_266 = arith.index_cast %scan3A_262 : i32 to index
        %get3A_267 = arith.constant 0 : index
        %get3A_268 = tpu.vector_load %arg17[%get3A_266, %get3A_267] {strides = array<i32>} : memref<64x128xf32, #tpu.memory_space<vmem>>, vector<1x16xf32>,
        %get3A_269 = vector.shape_cast %get3A_268 : vector<1x16xf32> to vector<16xf32>
        %add3A_270 = arith.addf %get3A_265, %get3A_269 : vector<16xf32>
        %swap3A = arith.index_cast %scan3A_262 : i32 to index
        %swap3A_271 = arith.constant 0 : index
        %swap3A_272 = tpu.vector_load %arg19[%swap3A, %swap3A_271] {strides = array<i32>} : memref<64x192xf32, #tpu.memory_space<vmem>>, vector<1x16xf32>,
        %swap3A_273 = vector.shape_cast %swap3A_272 : vector<1x16xf32> to vector<16xf32>
        %swap3A_274 = vector.shape_cast %add3A_270 : vector<16xf32> to vector<1x16xf32>
        tpu.vector_store %arg19[%swap3A, %swap3A_271], %swap3A_274 {strides = array<i32>} : memref<64x192xf32, #tpu.memory_space<vmem>>, vector<1x16xf32>,
        %get3A_275 = arith.index_cast %scan3A_262 : i32 to index
        %get3A_276 = arith.constant 16 : index
        %get3A_277 = tpu.vector_load %arg16[%get3A_275, %get3A_276] {strides = array<i32>} : memref<64x128xf32, #tpu.memory_space<vmem>>, vector<1x16xf32>,
        %get3A_278 = vector.shape_cast %get3A_277 : vector<1x16xf32> to vector<16xf32>
        %get3A_279 = arith.index_cast %scan3A_262 : i32 to index
        %get3A_280 = arith.constant 16 : index
        %get3A_281 = tpu.vector_load %arg17[%get3A_279, %get3A_280] {strides = array<i32>} : memref<64x128xf32, #tpu.memory_space<vmem>>, vector<1x16xf32>,
        %get3A_282 = vector.shape_cast %get3A_281 : vector<1x16xf32> to vector<16xf32>
        %add3A_283 = arith.addf %get3A_278, %get3A_282 : vector<16xf32>
        %swap3A_284 = arith.index_cast %scan3A_262 : i32 to index
        %swap3A_285 = arith.constant 16 : index
        %swap3A_286 = tpu.vector_load %arg19[%swap3A_284, %swap3A_285] {strides = array<i32>} : memref<64x192xf32, #tpu.memory_space<vmem>>, vector<1x16xf32>,
        %swap3A_287 = vector.shape_cast %swap3A_286 : vector<1x16xf32> to vector<16xf32>
        %swap3A_288 = vector.shape_cast %add3A_283 : vector<16xf32> to vector<1x16xf32>
        tpu.vector_store %arg19[%swap3A_284, %swap3A_285], %swap3A_288 {strides = array<i32>} : memref<64x192xf32, #tpu.memory_space<vmem>>, vector<1x16xf32>,
        %get3A_289 = arith.index_cast %scan3A_262 : i32 to index
        %get3A_290 = arith.constant 32 : index
        %get3A_291 = tpu.vector_load %arg16[%get3A_289, %get3A_290] {strides = array<i32>} : memref<64x128xf32, #tpu.memory_space<vmem>>, vector<1x16xf32>,
        %get3A_292 = vector.shape_cast %get3A_291 : vector<1x16xf32> to vector<16xf32>
        %get3A_293 = arith.index_cast %scan3A_262 : i32 to index
        %get3A_294 = arith.constant 32 : index
        %get3A_295 = tpu.vector_load %arg17[%get3A_293, %get3A_294] {strides = array<i32>} : memref<64x128xf32, #tpu.memory_space<vmem>>, vector<1x16xf32>,
        %get3A_296 = vector.shape_cast %get3A_295 : vector<1x16xf32> to vector<16xf32>
        %add3A_297 = arith.addf %get3A_292, %get3A_296 : vector<16xf32>
        %swap3A_298 = arith.index_cast %scan3A_262 : i32 to index
        %swap3A_299 = arith.constant 32 : index
        %swap3A_300 = tpu.vector_load %arg19[%swap3A_298, %swap3A_299] {strides = array<i32>} : memref<64x192xf32, #tpu.memory_space<vmem>>, vector<1x16xf32>,
        %swap3A_301 = vector.shape_cast %swap3A_300 : vector<1x16xf32> to vector<16xf32>
        %swap3A_302 = vector.shape_cast %add3A_297 : vector<16xf32> to vector<1x16xf32>
        tpu.vector_store %arg19[%swap3A_298, %swap3A_299], %swap3A_302 {strides = array<i32>} : memref<64x192xf32, #tpu.memory_space<vmem>>, vector<1x16xf32>,
        %get3A_303 = arith.index_cast %scan3A_262 : i32 to index
        %get3A_304 = arith.constant 48 : index
        %get3A_305 = tpu.vector_load %arg16[%get3A_303, %get3A_304] {strides = array<i32>} : memref<64x128xf32, #tpu.memory_space<vmem>>, vector<1x16xf32>,
        %get3A_306 = vector.shape_cast %get3A_305 : vector<1x16xf32> to vector<16xf32>
        %get3A_307 = arith.index_cast %scan3A_262 : i32 to index
        %get3A_308 = arith.constant 48 : index
        %get3A_309 = tpu.vector_load %arg17[%get3A_307, %get3A_308] {strides = array<i32>} : memref<64x128xf32, #tpu.memory_space<vmem>>, vector<1x16xf32>,
        %get3A_310 = vector.shape_cast %get3A_309 : vector<1x16xf32> to vector<16xf32>
        %add3A_311 = arith.addf %get3A_306, %get3A_310 : vector<16xf32>
        %swap3A_312 = arith.index_cast %scan3A_262 : i32 to index
        %swap3A_313 = arith.constant 48 : index
        %swap3A_314 = tpu.vector_load %arg19[%swap3A_312, %swap3A_313] {strides = array<i32>} : memref<64x192xf32, #tpu.memory_space<vmem>>, vector<1x16xf32>,
        %swap3A_315 = vector.shape_cast %swap3A_314 : vector<1x16xf32> to vector<16xf32>
        %swap3A_316 = vector.shape_cast %add3A_311 : vector<16xf32> to vector<1x16xf32>
        tpu.vector_store %arg19[%swap3A_312, %swap3A_313], %swap3A_316 {strides = array<i32>} : memref<64x192xf32, #tpu.memory_space<vmem>>, vector<1x16xf32>,
        %get3A_317 = arith.index_cast %scan3A_262 : i32 to index
        %get3A_318 = arith.constant 64 : index
        %get3A_319 = tpu.vector_load %arg16[%get3A_317, %get3A_318] {strides = array<i32>} : memref<64x128xf32, #tpu.memory_space<vmem>>, vector<1x16xf32>,
        %get3A_320 = vector.shape_cast %get3A_319 : vector<1x16xf32> to vector<16xf32>
        %get3A_321 = arith.index_cast %scan3A_262 : i32 to index
        %get3A_322 = arith.constant 64 : index
        %get3A_323 = tpu.vector_load %arg17[%get3A_321, %get3A_322] {strides = array<i32>} : memref<64x128xf32, #tpu.memory_space<vmem>>, vector<1x16xf32>,
        %get3A_324 = vector.shape_cast %get3A_323 : vector<1x16xf32> to vector<16xf32>
        %add3A_325 = arith.addf %get3A_320, %get3A_324 : vector<16xf32>
        %swap3A_326 = arith.index_cast %scan3A_262 : i32 to index
        %swap3A_327 = arith.constant 64 : index
        %swap3A_328 = tpu.vector_load %arg19[%swap3A_326, %swap3A_327] {strides = array<i32>} : memref<64x192xf32, #tpu.memory_space<vmem>>, vector<1x16xf32>,
        %swap3A_329 = vector.shape_cast %swap3A_328 : vector<1x16xf32> to vector<16xf32>
        %swap3A_330 = vector.shape_cast %add3A_325 : vector<16xf32> to vector<1x16xf32>
        tpu.vector_store %arg19[%swap3A_326, %swap3A_327], %swap3A_330 {strides = array<i32>} : memref<64x192xf32, #tpu.memory_space<vmem>>, vector<1x16xf32>,
        %get3A_331 = arith.index_cast %scan3A_262 : i32 to index
        %get3A_332 = arith.constant 80 : index
        %get3A_333 = tpu.vector_load %arg16[%get3A_331, %get3A_332] {strides = array<i32>} : memref<64x128xf32, #tpu.memory_space<vmem>>, vector<1x16xf32>,
        %get3A_334 = vector.shape_cast %get3A_333 : vector<1x16xf32> to vector<16xf32>
        %get3A_335 = arith.index_cast %scan3A_262 : i32 to index
        %get3A_336 = arith.constant 80 : index
        %get3A_337 = tpu.vector_load %arg17[%get3A_335, %get3A_336] {strides = array<i32>} : memref<64x128xf32, #tpu.memory_space<vmem>>, vector<1x16xf32>,
        %get3A_338 = vector.shape_cast %get3A_337 : vector<1x16xf32> to vector<16xf32>
        %add3A_339 = arith.addf %get3A_334, %get3A_338 : vector<16xf32>
        %swap3A_340 = arith.index_cast %scan3A_262 : i32 to index
        %swap3A_341 = arith.constant 80 : index
        %swap3A_342 = tpu.vector_load %arg19[%swap3A_340, %swap3A_341] {strides = array<i32>} : memref<64x192xf32, #tpu.memory_space<vmem>>, vector<1x16xf32>,
        %swap3A_343 = vector.shape_cast %swap3A_342 : vector<1x16xf32> to vector<16xf32>
        %swap3A_344 = vector.shape_cast %add3A_339 : vector<16xf32> to vector<1x16xf32>
        tpu.vector_store %arg19[%swap3A_340, %swap3A_341], %swap3A_344 {strides = array<i32>} : memref<64x192xf32, #tpu.memory_space<vmem>>, vector<1x16xf32>,
        %get3A_345 = arith.index_cast %scan3A_262 : i32 to index
        %get3A_346 = arith.constant 96 : index
        %get3A_347 = tpu.vector_load %arg16[%get3A_345, %get3A_346] {strides = array<i32>} : memref<64x128xf32, #tpu.memory_space<vmem>>, vector<1x16xf32>,
        %get3A_348 = vector.shape_cast %get3A_347 : vector<1x16xf32> to vector<16xf32>
        %get3A_349 = arith.index_cast %scan3A_262 : i32 to index
        %get3A_350 = arith.constant 96 : index
        %get3A_351 = tpu.vector_load %arg17[%get3A_349, %get3A_350] {strides = array<i32>} : memref<64x128xf32, #tpu.memory_space<vmem>>, vector<1x16xf32>,
        %get3A_352 = vector.shape_cast %get3A_351 : vector<1x16xf32> to vector<16xf32>
        %add3A_353 = arith.addf %get3A_348, %get3A_352 : vector<16xf32>
        %swap3A_354 = arith.index_cast %scan3A_262 : i32 to index
        %swap3A_355 = arith.constant 96 : index
        %swap3A_356 = tpu.vector_load %arg19[%swap3A_354, %swap3A_355] {strides = array<i32>} : memref<64x192xf32, #tpu.memory_space<vmem>>, vector<1x16xf32>,
        %swap3A_357 = vector.shape_cast %swap3A_356 : vector<1x16xf32> to vector<16xf32>
        %swap3A_358 = vector.shape_cast %add3A_353 : vector<16xf32> to vector<1x16xf32>
        tpu.vector_store %arg19[%swap3A_354, %swap3A_355], %swap3A_358 {strides = array<i32>} : memref<64x192xf32, #tpu.memory_space<vmem>>, vector<1x16xf32>,
        %get3A_359 = arith.index_cast %scan3A_262 : i32 to index
        %get3A_360 = arith.constant 112 : index
        %get3A_361 = tpu.vector_load %arg16[%get3A_359, %get3A_360] {strides = array<i32>} : memref<64x128xf32, #tpu.memory_space<vmem>>, vector<1x16xf32>,
        %get3A_362 = vector.shape_cast %get3A_361 : vector<1x16xf32> to vector<16xf32>
        %get3A_363 = arith.index_cast %scan3A_262 : i32 to index
        %get3A_364 = arith.constant 112 : index
        %get3A_365 = tpu.vector_load %arg17[%get3A_363, %get3A_364] {strides = array<i32>} : memref<64x128xf32, #tpu.memory_space<vmem>>, vector<1x16xf32>,
        %get3A_366 = vector.shape_cast %get3A_365 : vector<1x16xf32> to vector<16xf32>
        %add3A_367 = arith.addf %get3A_362, %get3A_366 : vector<16xf32>
        %swap3A_368 = arith.index_cast %scan3A_262 : i32 to index
        %swap3A_369 = arith.constant 112 : index
        %swap3A_370 = tpu.vector_load %arg19[%swap3A_368, %swap3A_369] {strides = array<i32>} : memref<64x192xf32, #tpu.memory_space<vmem>>, vector<1x16xf32>,
        %swap3A_371 = vector.shape_cast %swap3A_370 : vector<1x16xf32> to vector<16xf32>
        %swap3A_372 = vector.shape_cast %add3A_367 : vector<16xf32> to vector<1x16xf32>
        tpu.vector_store %arg19[%swap3A_368, %swap3A_369], %swap3A_372 {strides = array<i32>} : memref<64x192xf32, #tpu.memory_space<vmem>>, vector<1x16xf32>,
        %get3A_373 = arith.index_cast %scan3A_262 : i32 to index
        %get3A_374 = arith.constant 0 : index
        %get3A_375 = tpu.vector_load %arg18[%get3A_373, %get3A_374] {strides = array<i32>} : memref<64x128xf32, #tpu.memory_space<vmem>>, vector<1x16xf32>,
        %get3A_376 = vector.shape_cast %get3A_375 : vector<1x16xf32> to vector<16xf32>
        %swap3A_377 = arith.index_cast %scan3A_262 : i32 to index
        %swap3A_378 = arith.constant 128 : index
        %swap3A_379 = tpu.vector_load %arg19[%swap3A_377, %swap3A_378] {strides = array<i32>} : memref<64x192xf32, #tpu.memory_space<vmem>>, vector<1x16xf32>,
        %swap3A_380 = vector.shape_cast %swap3A_379 : vector<1x16xf32> to vector<16xf32>
        %swap3A_381 = vector.shape_cast %get3A_376 : vector<16xf32> to vector<1x16xf32>
        tpu.vector_store %arg19[%swap3A_377, %swap3A_378], %swap3A_381 {strides = array<i32>} : memref<64x192xf32, #tpu.memory_space<vmem>>, vector<1x16xf32>,
        %get3A_382 = arith.index_cast %scan3A_262 : i32 to index
        %get3A_383 = arith.constant 16 : index
        %get3A_384 = tpu.vector_load %arg18[%get3A_382, %get3A_383] {strides = array<i32>} : memref<64x128xf32, #tpu.memory_space<vmem>>, vector<1x16xf32>,
        %get3A_385 = vector.shape_cast %get3A_384 : vector<1x16xf32> to vector<16xf32>
        %swap3A_386 = arith.index_cast %scan3A_262 : i32 to index
        %swap3A_387 = arith.constant 144 : index
        %swap3A_388 = tpu.vector_load %arg19[%swap3A_386, %swap3A_387] {strides = array<i32>} : memref<64x192xf32, #tpu.memory_space<vmem>>, vector<1x16xf32>,
        %swap3A_389 = vector.shape_cast %swap3A_388 : vector<1x16xf32> to vector<16xf32>
        %swap3A_390 = vector.shape_cast %get3A_385 : vector<16xf32> to vector<1x16xf32>
        tpu.vector_store %arg19[%swap3A_386, %swap3A_387], %swap3A_390 {strides = array<i32>} : memref<64x192xf32, #tpu.memory_space<vmem>>, vector<1x16xf32>,
        %get3A_391 = arith.index_cast %scan3A_262 : i32 to index
        %get3A_392 = arith.constant 32 : index
        %get3A_393 = tpu.vector_load %arg18[%get3A_391, %get3A_392] {strides = array<i32>} : memref<64x128xf32, #tpu.memory_space<vmem>>, vector<1x16xf32>,
        %get3A_394 = vector.shape_cast %get3A_393 : vector<1x16xf32> to vector<16xf32>
        %swap3A_395 = arith.index_cast %scan3A_262 : i32 to index
        %swap3A_396 = arith.constant 160 : index
        %swap3A_397 = tpu.vector_load %arg19[%swap3A_395, %swap3A_396] {strides = array<i32>} : memref<64x192xf32, #tpu.memory_space<vmem>>, vector<1x16xf32>,
        %swap3A_398 = vector.shape_cast %swap3A_397 : vector<1x16xf32> to vector<16xf32>
        %swap3A_399 = vector.shape_cast %get3A_394 : vector<16xf32> to vector<1x16xf32>
        tpu.vector_store %arg19[%swap3A_395, %swap3A_396], %swap3A_399 {strides = array<i32>} : memref<64x192xf32, #tpu.memory_space<vmem>>, vector<1x16xf32>,
        %get3A_400 = arith.index_cast %scan3A_262 : i32 to index
        %get3A_401 = arith.constant 48 : index
        %get3A_402 = tpu.vector_load %arg18[%get3A_400, %get3A_401] {strides = array<i32>} : memref<64x128xf32, #tpu.memory_space<vmem>>, vector<1x16xf32>,
        %get3A_403 = vector.shape_cast %get3A_402 : vector<1x16xf32> to vector<16xf32>
        %swap3A_404 = arith.index_cast %scan3A_262 : i32 to index
        %swap3A_405 = arith.constant 176 : index
        %swap3A_406 = tpu.vector_load %arg19[%swap3A_404, %swap3A_405] {strides = array<i32>} : memref<64x192xf32, #tpu.memory_space<vmem>>, vector<1x16xf32>,
        %swap3A_407 = vector.shape_cast %swap3A_406 : vector<1x16xf32> to vector<16xf32>
        %swap3A_408 = vector.shape_cast %get3A_403 : vector<16xf32> to vector<1x16xf32>
        tpu.vector_store %arg19[%swap3A_404, %swap3A_405], %swap3A_408 {strides = array<i32>} : memref<64x192xf32, #tpu.memory_space<vmem>>, vector<1x16xf32>,
      }
      %scan3A_247 = arith.constant 64 : i32
      %add3A_248 = arith.addi %mul3A_2, %add3A_217 : i32
      %mul3A_249 = arith.constant 64 : i32
      %mul3A_250 = arith.muli %add3A_248, %mul3A_249 : i32
      %dma_start3A_251 = arith.constant 0 : i32
      %dma_start3A_252 = tpu.memref_slice %arg8[%mul3A_250, %dma_start3A_251] : memref<204800x192xf32, #tpu.memory_space<hbm>> -> memref<64x192xf32, #tpu.memory_space<hbm>>
      %dma_start3A_253 = arith.constant 0 : i32
      %dma_start3A_254 = tpu.memref_slice %arg8[%mul3A_250, %dma_start3A_253] : memref<204800x192xf32, #tpu.memory_space<hbm>> -> memref<64x192xf32, #tpu.memory_space<hbm>>
      tpu.enqueue_dma source(%arg19 : memref<64x192xf32, #tpu.memory_space<vmem>>) target(%dma_start3A_254 : memref<64x192xf32, #tpu.memory_space<hbm>>) target_semaphore(%arg23 : memref<!tpu.dma_semaphore, #tpu.memory_space<semaphore_mem>>)
      %add3A_255 = arith.constant 3 : i32
      %add3A_256 = arith.addi %mul3A_174, %add3A_255 : i32
      %lt3A_257 = arith.constant 100 : i32
      %lt3A_258 = arith.cmpi slt, %add3A_256, %lt3A_257 : i32
      %convert_element_type3A_259 = arith.extui %lt3A_258 : i1 to i32
      %cond3A_260 = arith.constant 0 : i32
      %cond3A_261 = arith.cmpi ne, %convert_element_type3A_259, %cond3A_260 : i32
      scf.if %cond3A_261 {
        %add3A_262 = arith.constant 3 : i32
        %add3A_263 = arith.addi %mul3A_174, %add3A_262 : i32
        %dma_start3A_264 = arith.constant 0 : i32
        %dma_start3A_265 = tpu.memref_slice %arg9[%add3A_263, %dma_start3A_264] : memref<100x64xi32, #tpu.memory_space<vmem>> -> memref<1x64xi32, #tpu.memory_space<vmem>>
        %dma_start3A_266 = tpu.memref_squeeze %dma_start3A_265 : memref<1x64xi32, #tpu.memory_space<vmem>> -> memref<64xi32, #tpu.memory_space<vmem>>
        %dma_start3A_267 = arith.constant 0 : i32
        %dma_start3A_268 = arith.constant 0 : i32
        %dma_start3A_269 = tpu.memref_slice %arg5[%dma_start3A_267, %dma_start3A_268] : memref<100000x128xf32, #tpu.memory_space<hbm>> -> memref<100000x128xf32, #tpu.memory_space<hbm>>
        tpu.enqueue_indirect_dma source(%dma_start3A_269 : memref<100000x128xf32, #tpu.memory_space<hbm>>) target(%arg16 : memref<64x128xf32, #tpu.memory_space<vmem>>) offsets(%dma_start3A_266 : memref<64xi32, #tpu.memory_space<vmem>>) semaphore(%arg21 : memref<!tpu.dma_semaphore, #tpu.memory_space<semaphore_mem>>)
        %dma_start3A_270 = arith.constant 0 : i32
        %dma_start3A_271 = tpu.memref_slice %arg10[%add3A_263, %dma_start3A_270] : memref<100x64xi32, #tpu.memory_space<vmem>> -> memref<1x64xi32, #tpu.memory_space<vmem>>
        %dma_start3A_272 = tpu.memref_squeeze %dma_start3A_271 : memref<1x64xi32, #tpu.memory_space<vmem>> -> memref<64xi32, #tpu.memory_space<vmem>>
        %dma_start3A_273 = arith.constant 0 : i32
        %dma_start3A_274 = arith.constant 0 : i32
        %dma_start3A_275 = tpu.memref_slice %arg6[%dma_start3A_273, %dma_start3A_274] : memref<1000000x128xf32, #tpu.memory_space<hbm>> -> memref<1000000x128xf32, #tpu.memory_space<hbm>>
        tpu.enqueue_indirect_dma source(%dma_start3A_275 : memref<1000000x128xf32, #tpu.memory_space<hbm>>) target(%arg17 : memref<64x128xf32, #tpu.memory_space<vmem>>) offsets(%dma_start3A_272 : memref<64xi32, #tpu.memory_space<vmem>>) semaphore(%arg21 : memref<!tpu.dma_semaphore, #tpu.memory_space<semaphore_mem>>)
        %dma_start3A_276 = arith.constant 0 : i32
        %dma_start3A_277 = tpu.memref_slice %arg11[%add3A_263, %dma_start3A_276] : memref<100x64xi32, #tpu.memory_space<vmem>> -> memref<1x64xi32, #tpu.memory_space<vmem>>
        %dma_start3A_278 = tpu.memref_squeeze %dma_start3A_277 : memref<1x64xi32, #tpu.memory_space<vmem>> -> memref<64xi32, #tpu.memory_space<vmem>>
        %dma_start3A_279 = arith.constant 0 : i32
        %dma_start3A_280 = arith.constant 0 : i32
        %dma_start3A_281 = tpu.memref_slice %arg7[%dma_start3A_279, %dma_start3A_280] : memref<1000x128xf32, #tpu.memory_space<hbm>> -> memref<1000x128xf32, #tpu.memory_space<hbm>>
        tpu.enqueue_indirect_dma source(%dma_start3A_281 : memref<1000x128xf32, #tpu.memory_space<hbm>>) target(%arg18 : memref<64x128xf32, #tpu.memory_space<vmem>>) offsets(%dma_start3A_278 : memref<64xi32, #tpu.memory_space<vmem>>) semaphore(%arg21 : memref<!tpu.dma_semaphore, #tpu.memory_space<semaphore_mem>>)
      } else {
      }
    }
    %scan3A_159 = arith.constant 49 : i32
    %dma_wait3A_160 = arith.constant 0 : i32
    %dma_wait3A_161 = arith.constant 0 : i32
    %dma_wait3A_162 = tpu.memref_slice %arg8[%dma_wait3A_160, %dma_wait3A_161] : memref<204800x192xf32, #tpu.memory_space<hbm>> -> memref<64x192xf32, #tpu.memory_space<hbm>>
    %dma_wait3A_163 = arith.constant 0 : i32
    %dma_wait3A_164 = arith.constant 0 : i32
    %dma_wait3A_165 = tpu.memref_slice %arg8[%dma_wait3A_163, %dma_wait3A_164] : memref<204800x192xf32, #tpu.memory_space<hbm>> -> memref<64x192xf32, #tpu.memory_space<hbm>>
    tpu.wait_dma2 semaphore(%arg22 : memref<!tpu.dma_semaphore, #tpu.memory_space<semaphore_mem>>) src(%arg15 : memref<64x192xf32, #tpu.memory_space<vmem>>) dst(%dma_wait3A_165 : memref<64x192xf32, #tpu.memory_space<hbm>>)
    %dma_wait3A_166 = arith.constant 0 : i32
    %dma_wait3A_167 = arith.constant 0 : i32
    %dma_wait3A_168 = tpu.memref_slice %arg8[%dma_wait3A_166, %dma_wait3A_167] : memref<204800x192xf32, #tpu.memory_space<hbm>> -> memref<64x192xf32, #tpu.memory_space<hbm>>
    %dma_wait3A_169 = arith.constant 0 : i32
    %dma_wait3A_170 = arith.constant 0 : i32
    %dma_wait3A_171 = tpu.memref_slice %arg8[%dma_wait3A_169, %dma_wait3A_170] : memref<204800x192xf32, #tpu.memory_space<hbm>> -> memref<64x192xf32, #tpu.memory_space<hbm>>
    tpu.wait_dma2 semaphore(%arg23 : memref<!tpu.dma_semaphore, #tpu.memory_space<semaphore_mem>>) src(%arg19 : memref<64x192xf32, #tpu.memory_space<vmem>>) dst(%dma_wait3A_171 : memref<64x192xf32, #tpu.memory_space<hbm>>)
    return
  }
}

</mosaic_0001>

<sc_bundles>
// kernel: _input_layer.3.cloned.1.call-start
scs
__scs_entry_jumppad:
0x0: {  	(pc) =	sbr.rel $0x88, $3  }
0x1: {  	(tag) =	ssettag $0x0;
	lr =	simm.s32 $0x1  }
0x2: {  	[smem:$0x3F9B] =	sst lr;
	_ =	strace $0xD0000000  }
0x3: {  	_ = 	snop  }
0x4: {  	_ = 	snop  }
0x5: {  	_ = 	snop  }
0x6: {  	_ = 	snop  }
0x7: {  	_ = 	snop  }
__scs_overlays_trampoline_lowered:
0x8: {  	[smem:$0x3FAA] =	sst s0  }
0x9: {  	[smem:$0x3FAB] =	sst s1  }
0xa: {  	[smem:$0x3FAC] =	sst s2  }
0xb: {  	[smem:$0x3FAD] =	sst s3  }
0xc: {  	[smem:$0x3FAE] =	sst s4  }
0xd: {  	[smem:$0x3FAF] =	sst s5  }
0xe: {  	[smem:$0x3FB0] =	sst s6  }
0xf: {  	[smem:$0x3FB1] =	sst s7  }
0x10: {  	[smem:$0x3FB2] =	sst s8  }
0x11: {  	[smem:$0x3FB3] =	sst s9;
	s0 =	simm.s32 @!p0 $0x0  }
0x12: {  	s1 =	sld [smem:$0x3F99];
	s0 =	simm.s32 @p0 $0x1  }
0x13: {  	[smem:$0x3FB4] =	sst s0;
	s0 =	simm.s32 @!p1 $0x0  }
0x14: {  	s2 =	sld [smem:$0x3F98];
	s0 =	simm.s32 @p1 $0x1  }
0x15: {  	[smem:$0x3FB5] =	sst s0;
	s0 =	simm.s32 @!p2 $0x0  }
0x16: {  	s3 =	sld [smem:$0x3FDB];
	s0 =	simm.s32 @p2 $0x1  }
0x17: {  	s4 =	simm.s32 $0x1BF5;
	[smem:$0x3FB7] =	sst s0  }
0x18: {  	s0 =	sld [smem:$0x3F9A];
	_ =	swait.ge [sflag:s4], $0x0  }
0x19: {  	s7 =	sld [smem:$0x3F9B]  }
0x1a: {  	s8 =	sadd.s32 $0xFFFFE003, lr  }
0x1b: {  	s9 =	sadd.s32 $0xFFFFFEF7, lr;
	s5 =	simm.s32 $0xFFFFFFFF;
	p2 =	slt.u32 s8, $0xFFFFF086  }
0x1c: {  	p1 =	slt.u32 s9, $0xF7A;
	s5 =	simm.s32 @!p2 $0x0  }
0x1d: {  	s5 =	simm.s32 @p1 $0x1;
	p0 =	seq.s32 s7, s2  }
0x1e: {  	s7 =	smul.u32 @!p0 $0xF7A, s2;
	p2 =	seq.s32 @!p0 s5, $0x0  }
0x1f: {  	s9 =	smul.u32 $0xF7A, s1;
	s8 =	simm.s32 @!p0 $0x1BF5;
	p2 =	por !p2, p0  }
0x20: {  	[sflag:s8] =	ssyncset.s32 @!p0 $0xFFFFF086;
	s6 =	sadd.s32 @!p0 s3, s7;
	s7 =	simm.s32 @!p0 $0x108  }
0x21: {  	s3 =	sadd.s32 s3, s9;
	s6 =	sadd.s32 @!p0 $0x88, s6;
	s7 =	simm.s32 @p2 $0x1082  }
0x22: {  	[simem:s7], [sflag:s8] =	dma.local @!p0 [hbm:s6], $0xF7A  }
0x23: {  	s9 =	sor.u32 $0xD0000000, s2;
	s6 =	simm.s32 $0x108;
	_ =	swait.ge @!p0 [sflag:s8], $0x0  }
0x24: {  	s3 =	sadd.s32 $0x88, s3;
	s6 =	simm.s32 @!p1 $0x1082;
	[sflag:s4] =	ssyncset.s32 $0xFFFFF086  }
0x25: {  	[simem:s6], [sflag:s4] =	dma.local [hbm:s3], $0xF7A  }
0x26: {  	[smem:$0x3F9B] =	sst s1;
	(tag) =	ssettag s2;
	_ =	strace s9  }
0x27: {  	s1 =	sld [smem:$0x3FAB]  }
0x28: {  	s2 =	sld [smem:$0x3FAC]  }
0x29: {  	s4 =	sld [smem:$0x3FAE]  }
0x2a: {  	p0 =	seq.s32 s5, $0x0;
	s5 =	sld [smem:$0x3FAF]  }
0x2b: {  	s6 =	sld [smem:$0x3FB0]  }
0x2c: {  	s7 =	sld [smem:$0x3FB1]  }
0x2d: {  	s3 =	simm.s32 $0x108;
	s8 =	sld [smem:$0x3FB2]  }
0x2e: {  	s3 =	simm.s32 @!p0 $0x1082;
	s9 =	sld [smem:$0x3FB3]  }
0x2f: {  	lr =	sadd.s32 s0, s3;
	s0 =	sld [smem:$0x3FAA]  }
0x30: {  	s3 =	sld [smem:$0x3FAD]  }
0x31: {  	[smem:$0x3FB6] =	sst s10  }
0x32: {  	s10 =	sld [smem:$0x3FB4];
	_ =	sdelay $0x3  }
0x33: {  	p0 =	seq.s32 s10, $0x1;
	s10 =	sld [smem:$0x3FB6];
	_ =	sdelay $0x3  }
0x34: {  	[smem:$0x3FB6] =	sst s10  }
0x35: {  	s10 =	sld [smem:$0x3FB5];
	_ =	sdelay $0x3  }
0x36: {  	p1 =	seq.s32 s10, $0x1;
	s10 =	sld [smem:$0x3FB6];
	_ =	sdelay $0x3  }
0x37: {  	[smem:$0x3FB6] =	sst s10  }
0x38: {  	s10 =	sld [smem:$0x3FB7]  }
0x39: {  	_ = 	snop;
	(pc) =	sbr.ind lr, $3  }
0x3a: {  	_ = 	snop  }
0x3b: {  	_ = 	snop  }
0x3c: {  	p2 =	seq.s32 s10, $0x1;
	s10 =	sld [smem:$0x3FB6]  }
0x3d: {  	_ =	shalt  }
0x3e: {  	_ =	shalt  }
0x3f: {  	_ =	shalt  }
0x40: {  	_ =	shalt  }
0x41: {  	_ =	shalt  }
0x42: {  	_ =	shalt  }
0x43: {  	_ =	shalt  }
0x44: {  	_ =	shalt  }
0x45: {  	_ =	shalt  }
0x46: {  	_ =	shalt  }
0x47: {  	_ =	shalt  }
0x48: {  	_ =	shalt  }
0x49: {  	_ =	shalt  }
0x4a: {  	_ =	shalt  }
0x4b: {  	_ =	shalt  }
0x4c: {  	_ =	shalt  }
0x4d: {  	_ =	shalt  }
0x4e: {  	_ =	shalt  }
0x4f: {  	_ =	shalt  }
0x50: {  	_ =	shalt  }
0x51: {  	_ =	shalt  }
0x52: {  	_ =	shalt  }
0x53: {  	_ =	shalt  }
0x54: {  	_ =	shalt  }
0x55: {  	_ =	shalt  }
0x56: {  	_ =	shalt  }
0x57: {  	_ =	shalt  }
0x58: {  	_ =	shalt  }
0x59: {  	_ =	shalt  }
0x5a: {  	_ =	shalt  }
0x5b: {  	_ =	shalt  }
0x5c: {  	_ =	shalt  }
0x5d: {  	_ =	shalt  }
0x5e: {  	_ =	shalt  }
0x5f: {  	_ =	shalt  }
0x60: {  	_ =	shalt  }
0x61: {  	_ =	shalt  }
0x62: {  	_ =	shalt  }
0x63: {  	_ =	shalt  }
0x64: {  	_ =	shalt  }
0x65: {  	_ =	shalt  }
0x66: {  	_ =	shalt  }
0x67: {  	_ =	shalt  }
0x68: {  	_ =	shalt  }
0x69: {  	_ =	shalt  }
0x6a: {  	_ =	shalt  }
0x6b: {  	_ =	shalt  }
0x6c: {  	_ =	shalt  }
0x6d: {  	_ =	shalt  }
0x6e: {  	_ =	shalt  }
0x6f: {  	_ =	shalt  }
0x70: {  	_ =	shalt  }
0x71: {  	_ =	shalt  }
0x72: {  	_ =	shalt  }
0x73: {  	_ =	shalt  }
0x74: {  	_ =	shalt  }
0x75: {  	_ =	shalt  }
0x76: {  	_ =	shalt  }
0x77: {  	_ =	shalt  }
0x78: {  	_ =	shalt  }
0x79: {  	_ =	shalt  }
0x7a: {  	_ =	shalt  }
0x7b: {  	_ =	shalt  }
0x7c: {  	_ =	shalt  }
0x7d: {  	_ =	shalt  }
0x7e: {  	_ =	shalt  }
0x7f: {  	_ =	shalt  }
0x80: {  	_ =	shalt  }
0x81: {  	_ =	shalt  }
0x82: {  	_ =	shalt  }
0x83: {  	_ =	shalt  }
0x84: {  	_ =	shalt  }
0x85: {  	_ =	shalt  }
0x86: {  	_ =	shalt  }
0x87: {  	_ =	shalt  }
.Lfunc_end0:
.L_simem_size_0:
called_computation.1_lowered:
.L_overlay_start_0:
0x88: {  	s2 =	sld [smem:$0x3FD9]  }
0x89: {  	s3 =	sld [smem:$0x3FFE];
	_ =	sdelay $0x1  }
0x8a: {  	s1 =	srdreg.scid  }
0x8b: {  	s0 =	sand.u32 $0x1, s1  }
0x8c: {  	s17 =	sshll.u32 s0, $0xA;
	s2 =	sadd.s32 s3, s2  }
0x8d: {  	s2 =	sadd.s32 s2, s17  }
0x8e: {  	[smem:$0x3FC2] =	sst s2  }
0x8f: {  	_ = 	snop  }
0x90: {  	s2 =	sld [smem:$0x3FC6]  }
0x91: {  	s18 =	sld [smem:$0x3FC5]  }
0x92: {  	s4 =	sld [smem:$0x3FD0];
	(tm) =	ssettm $0x1  }
0x93: {  	s5 =	sld [smem:$0x3FFB];
	_ =	sdelay $0x3  }
0x94: {  	_ =	strace s5  }
0x95: {  	s5 =	sld [smem:$0x3FFC];
	_ =	sdelay $0x3  }
0x96: {  	_ =	strace s5  }
0x97: {  	s5 =	sld [smem:$0x3FFD];
	_ =	sdelay $0x3  }
0x98: {  	_ =	strace s5  }
0x99: {  	_ =	strace $0x8FFFFFFF  }
0x9a: {  	s19 =	sld [smem:$0x3FDB];
	_ =	sdelay $0x1  }
0x9b: {  	s6 =	simm.s32 $_scs_section_size  }
0x9c: {  	s7 =	simm.s32 $_size__tile_overlayer_lowered;
	s8 =	simm.s32 $_tile_overlayer_lowered  }
0x9d: {  	s22 =	simm.s32 $0x1BFF;
	s21 =	sshll.u32 s8, $0x1;
	s5 =	sadd.s32 s6, s19  }
0x9e: {  	s9 =	simm.s32 $0x0;
	s20 =	sshll.u32 s7, $0x1;
	s7 =	sadd.s32 s21, s5  }
0x9f: {  	[timem:s9], [sflag:s22] =	dma.local [hbm:s7], s20  }
0xa0: {  	_ =	swait.ge [sflag:s22], s20  }
0xa1: {  	s6 =	ssub.s32 $0x0, s20;
	[sflag:s22] =	ssyncset.done $0x0  }
0xa2: {  	[sflag:s22] =	ssyncadd.s32 s6;
	_ =	sdelay $0x1  }
0xa3: {  	s23 =	simm.s32 $0x1B8B  }
0xa4: {  	_ =	swait.ge [sflag:s23], $0x1  }
0xa5: {  	[sflag:s23] =	ssyncset.done $0x0  }
0xa6: {  	s25 =	simm.s32 $0x1B8E;
	s24 =	sld [smem:$0x3FFE];
	[sflag:s23] =	ssyncadd.s32 $0xFFFFFFFF  }
0xa7: {  	s26 =	simm.s32 $execute0_lowered;
	[smem:$0x3FD2] =	sst s25  }
0xa8: {  	s7 =	sshll.u32 s26, $0x1;
	_ =	strace $0x80000046;
	[dreg:$0x1] =	wrdreg $0xFFFFFFFF  }
0xa9: {  	s28 =	simm.s32 $_size_execute0_lowered;
	s5 =	sadd.s32 s5, s7;
	[dreg:$0x0] =	wrdreg $0x0  }
0xaa: {  	s7 =	sshll.u32 s28, $0x1;
	[dreg:$0x2] =	wrdreg s5  }
0xab: {  	[dreg:$0x3] =	wrdreg s7  }
0xac: {  	[dreg:$0x4] =	wrdreg $0xC0  }
0xad: {  	_ =	task [dreg:s9], $0x5FFFF  }
0xae: {  	[dreg:$0x1] =	wrdreg $0xFFFFFFFF  }
0xaf: {  	[dreg:$0x0] =	wrdreg $0x60  }
0xb0: {  	[dreg:$0x2] =	wrdreg s4  }
0xb1: {  	[dreg:$0x3] =	wrdreg s24  }
0xb2: {  	[dreg:$0x4] =	wrdreg s2  }
0xb3: {  	[dreg:$0x5] =	wrdreg s18  }
0xb4: {  	[dreg:$0x6] =	wrdreg $0x9  }
0xb5: {  	_ =	task.clear_ibuf [dreg:s9], $0x7FFFF;
	_ =	strace $0x90000046  }
0xb6: {  	s29 =	simm.s32 $0x9;
	_ =	strace $0x80000048  }
0xb7: {  	_ =	swait.ge [sflag:s29], $0x1  }
0xb8: {  	[sflag:s29] =	ssyncadd.s32 $0xFFFFFFFF  }
0xb9: {  	_ =	strace $0x90000048  }
0xba: {  	_ =	sfence  }
0xbb: {  	s30 =	sld [smem:$0x0];
	_ =	sdelay $0x2  }
0xbc: {  	s31 =	sshll.u32 s1, $0xD;
	s1 =	sshrl.u32 s1, $0x2  }
0xbd: {  	s3 =	sand.u32 $0x4000, s31;
	s1 =	sadd.s32 s1, s30  }
0xbe: {  	s0 =	sor.u32 s3, s0;
	s1 =	sshll.u32 s1, $0x11  }
0xbf: {  	s0 =	sor.u32 s1, s0  }
0xc0: {  	s0 =	sadd.s32 $0x8F2B, s0  }
0xc1: {  	[sflag:s0] =	ssyncadd.remote.s32 $0x1  }
0xc2: {  	_ =	sfence.sel $0xFFFF  }
0xc3: {  	[dreg:$0x0] =	wrdreg $0xFFFFFFFF;
	(pc) =	sbr.abs _section_cstart, $3  }
0xc4: {  	[dreg:$0x1] =	wrdreg $0xFFFFFFFF  }
0xc5: {  	_ =	task.clear_ibuf [dreg:s9], $0x2FFFF;
	_ =	strace $0x9FFFFFFF  }
0xc6: {  	(tm) =	ssettm $0x7FFFFFFF  }
0xc7: {  	_ =	shalt  }
tec
execute0_lowered:
.L_overlay_start_1:
0x0: {  	(tag) =	ssettag $0x1  }
0x1: {  	s0 =	rddreg [dreg:$0x0]  }
0x2: {  	s1 =	rddreg [dreg:$0x1];
	s3 =	srdreg.scid  }
0x3: {  	s4 =	stileid.u32;
	s2 =	rddreg [dreg:$0x2]  }
0x4: {  	s15 =	simm.s32 $0x5;
	s18 =	simm.s32 $0x40;
	s21 =	simm.s32 $0xBC00  }
0x5: {  	s28 =	simm.s32 $0x17C00;
	s29 =	simm.s32 $0x1;
	s30 =	simm.s32 $0xFC00  }
0x6: {  	s22 =	simm.s32 $0x2;
	s5 =	sand.u32 $0x1, s3;
	s4 =	sshll.u32 s4, $0x1  }
0x7: {  	s31 =	simm.s32 $0x0;
	s3 =	rddreg [dreg:$0x3];
	s7 =	sor.u32 s5, s4  }
0x8: {  	s6 =	sadd.s32 $0x1EC00, s1;
	s4 =	simm.s32 $0x0;
	s8 =	smul.u32 $0x680, s7  }
0x9: {  	s10 =	ssub.s32 $0x2, s5;
	s5 =	sadd.s32 $0x1AC00, s1;
	s12 =	smul.u32 $0x32000, s7  }
0xa: {  	[smem:$0x7FF] =	sst s4;
	s11 =	sshrl.u32 s10, $0x1;
	s7 =	smul.u32 $0x64, s7  }
0xb: {  	_ =	strace $0x80000047;
	s23 =	ssub.s32 s10, s11;
	s9 =	sadd.s32 s8, s1  }
0xc: {  	s0 =	sadd.s32 s0, s8;
	s10 =	sadd.s32 s6, s12;
	s13 =	sor.u32 $0x1, s7  }
.Ltmp0:
0xd: {  	[dreg:$0x5] =	wrdreg s0;
	s24 =	sadd.s32 $0xC00, s9;
	(pc) =	sbr.rel .LBB2_1-.Ltmp0, $4  }
0xe: {  	s14 =	smax.u32 s23, $0x1;
	s25 =	sadd.s32 $0xDC00, s9;
	[dreg:$0x6] =	wrdreg s24  }
0xf: {  	s12 =	simm.s32 $0x9C00;
	s26 =	sadd.s32 $0x800, s10;
	[dreg:$0x7] =	wrdreg s25  }
0x10: {  	s23 =	simm.s32 $0x13C00;
	s0 =	simm.s32 $0x3;
	[dreg:$0x8] =	wrdreg s26  }
0x11: {  	s25 =	simm.s32 $0x15C00;
	s24 =	simm.s32 $0x19C00;
	s26 =	simm.s32 $0x4  }
.LBB2_12:
0x12: {  	s31 =	sadd.s32 $0x1, s31  }
0x13: {  	_ =	swait.ge [sflag:s0], $0x4000;
	p0 =	sne.s32 s31, s14  }
.Ltmp1:
0x14: {  	[sflag:s0] =	ssyncset.done $0x0;
	(pc) =	sbr.rel @!p0 .LBB2_13-.Ltmp1, $4  }
0x15: {  	[sflag:s0] =	ssyncadd.s32 $0xFFFFC000  }
0x16: {  	_ =	swait.ge [sflag:s26], $0x4000  }
0x17: {  	[sflag:s26] =	ssyncset.done $0x0  }
0x18: {  	s12 =	simm.s32 $0x9C00;
	s21 =	simm.s32 $0xBC00;
	[sflag:s26] =	ssyncadd.s32 $0xFFFFC000  }
.LBB2_1:
0x19: {  	s1 =	rddreg [dreg:$0x5]  }
0x1a: {  	[tilespmem:s4], [sflag:$0x5] =	stream.linear.gather [hbm4b:s1+s4], $0x3200, $0x38;
	[tilespmem:$0x1DC00] =	vst v63  }
0x1b: {  	_ =	swait.ge [sflag:s15], $0x3200  }
0x1c: {  	[sflag:s15] =	ssyncset.done $0x0  }
0x1d: {  	s8 =	simm.s32 $0x3400;
	s19 =	rddreg [dreg:$0x6];
	[sflag:s15] =	ssyncadd.s32 $0xFFFFCE00  }
0x1e: {  	[tilespmem:s8], [sflag:$0x5] =	stream.linear.gather [hbm4b:s19+s4], $0x3200, $0x38;
	[tilespmem:$0x1DC00] =	vst v63  }
0x1f: {  	_ =	swait.ge [sflag:s15], $0x3200  }
0x20: {  	[sflag:s15] =	ssyncset.done $0x0  }
0x21: {  	s9 =	simm.s32 $0x6800;
	s20 =	rddreg [dreg:$0x7];
	[sflag:s15] =	ssyncadd.s32 $0xFFFFCE00  }
0x22: {  	[tilespmem:s9], [sflag:$0x5] =	stream.linear.gather [hbm4b:s20+s4], $0x3200, $0x38;
	[tilespmem:$0x1DC00] =	vst v63  }
0x23: {  	_ =	swait.ge [sflag:s15], $0x3200  }
0x24: {  	[sflag:s15] =	ssyncset.done $0x0  }
0x25: {  	[sflag:s15] =	ssyncadd.s32 $0xFFFFCE00  }
0x26: {  	[tilespmem:s12], [sflag:$0x1] =	stream.indirect.gather [hbm4b:s2+s18], $0x80, s4, s18, $0xb8;
	[tilespmem:$0x1DC00] =	vst v63  }
0x27: {  	_ = 	snop  }
0x28: {  	[tilespmem:s21], [sflag:$0x1] =	stream.indirect.gather [hbm4b:s3+s18], $0x80, s8, s18, $0xb8;
	[tilespmem:$0x1DC00] =	vst v63  }
0x29: {  	s8 =	simm.s32 $0xDC00  }
0x2a: {  	[tilespmem:s8], [sflag:$0x1] =	stream.indirect.gather [hbm4b:s5+s18], $0x80, s9, s18, $0xb8;
	[tilespmem:$0x1DC00] =	vst v63  }
0x2b: {  	s11 =	simm.s32 $0x80  }
0x2c: {  	[tilespmem:s23], [sflag:$0x2] =	stream.indirect.gather [hbm4b:s2+s18], $0x80, s11, s18, $0xb8;
	[tilespmem:$0x1DC00] =	vst v63  }
0x2d: {  	s16 =	simm.s32 $0x3480  }
0x2e: {  	[tilespmem:s25], [sflag:$0x2] =	stream.indirect.gather [hbm4b:s3+s18], $0x80, s16, s18, $0xb8;
	[tilespmem:$0x1DC00] =	vst v63  }
0x2f: {  	s17 =	simm.s32 $0x6880  }
0x30: {  	[tilespmem:s28], [sflag:$0x2] =	stream.indirect.gather [hbm4b:s5+s18], $0x80, s17, s18, $0xb8;
	[tilespmem:$0x1DC00] =	vst v63  }
0x31: {  	_ =	swait.ge [sflag:s29], $0x2000  }
0x32: {  	[sflag:s29] =	ssyncset.done $0x0  }
0x33: {  	[sflag:s29] =	ssyncadd.s32 $0xFFFFE000  }
0x34: {  	_ =	swait.ge [sflag:s29], $0x2000  }
0x35: {  	[sflag:s29] =	ssyncset.done $0x0  }
0x36: {  	[sflag:s29] =	ssyncadd.s32 $0xFFFFE000  }
0x37: {  	_ =	swait.ge [sflag:s29], $0x2000  }
0x38: {  	[sflag:s29] =	ssyncset.done $0x0  }
0x39: {  	s19 =	simm.s32 $0x9C40;
	[sflag:s29] =	ssyncadd.s32 $0xFFFFE000  }
0x3a: {  	s1 =	simm.s32 $0xBC40;
	v0 =	vld [tilespmem:s19+$0xFFFFFFC0]  }
0x3b: {  	v1 =	vld [tilespmem:s1+$0xFFFFFFC0];
	_ =	sdelay $0x4  }
0x3c: {  	s20 =	sand.u32 $0x3800, s4;
	s11 =	sand.u32 $0x380, s4;
	v0 =	vadd.f32 v1, v0  }
0x3d: {  	s9 =	sor.u32 s11, s20  }
0x3e: {  	[tilespmem:s9+$0xFC00] =	vst v0  }
0x3f: {  	v0 =	vld [tilespmem:s19+$0xFFFFFFD0]  }
0x40: {  	v1 =	vld [tilespmem:s1+$0xFFFFFFD0];
	_ =	sdelay $0x4  }
0x41: {  	v0 =	vadd.f32 v1, v0;
	_ =	sdelay $0x1  }
0x42: {  	[tilespmem:s9+$0xFC10] =	vst v0  }
0x43: {  	v0 =	vld [tilespmem:s19+$0xFFFFFFE0]  }
0x44: {  	v1 =	vld [tilespmem:s1+$0xFFFFFFE0];
	_ =	sdelay $0x4  }
0x45: {  	v0 =	vadd.f32 v1, v0;
	_ =	sdelay $0x1  }
0x46: {  	[tilespmem:s9+$0xFC20] =	vst v0  }
0x47: {  	v0 =	vld [tilespmem:s19+$0xFFFFFFF0]  }
0x48: {  	v1 =	vld [tilespmem:s1+$0xFFFFFFF0];
	_ =	sdelay $0x4  }
0x49: {  	v0 =	vadd.f32 v1, v0;
	_ =	sdelay $0x1  }
0x4a: {  	[tilespmem:s9+$0xFC30] =	vst v0  }
0x4b: {  	v0 =	vld [tilespmem:s19+$0x0]  }
0x4c: {  	v1 =	vld [tilespmem:s1+$0x0];
	_ =	sdelay $0x4  }
0x4d: {  	v0 =	vadd.f32 v1, v0;
	_ =	sdelay $0x1  }
0x4e: {  	[tilespmem:s9+$0xFC40] =	vst v0  }
0x4f: {  	v0 =	vld [tilespmem:s19+$0x10]  }
0x50: {  	v1 =	vld [tilespmem:s1+$0x10];
	_ =	sdelay $0x4  }
0x51: {  	v0 =	vadd.f32 v1, v0;
	_ =	sdelay $0x1  }
0x52: {  	[tilespmem:s9+$0xFC50] =	vst v0  }
0x53: {  	v0 =	vld [tilespmem:s19+$0x20]  }
0x54: {  	v1 =	vld [tilespmem:s1+$0x20];
	_ =	sdelay $0x4  }
0x55: {  	v0 =	vadd.f32 v1, v0;
	_ =	sdelay $0x1  }
0x56: {  	[tilespmem:s9+$0xFC60] =	vst v0  }
0x57: {  	v0 =	vld [tilespmem:s19+$0x30]  }
0x58: {  	v1 =	vld [tilespmem:s1+$0x30];
	_ =	sdelay $0x4  }
0x59: {  	v0 =	vadd.f32 v1, v0;
	_ =	sdelay $0x1  }
0x5a: {  	s16 =	simm.s32 $0xDC20;
	[tilespmem:s9+$0xFC70] =	vst v0  }
0x5b: {  	v0 =	vld [tilespmem:s16+$0xFFFFFFE0];
	_ =	sdelay $0x3  }
0x5c: {  	s20 =	sadd.s32 $0xFC00, s9  }
0x5d: {  	[tilespmem:s20+$0x400] =	vst v0  }
0x5e: {  	v0 =	vld [tilespmem:s16+$0xFFFFFFF0];
	_ =	sdelay $0x4  }
0x5f: {  	[tilespmem:s20+$0x410] =	vst v0  }
0x60: {  	v0 =	vld [tilespmem:s16+$0x0];
	_ =	sdelay $0x1  }
0x61: {  	s8 =	simm.s32 $0x9CC0  }
0x62: {  	s17 =	simm.s32 $0x80;
	s19 =	simm.s32 $0xDC20;
	s9 =	simm.s32 $0x0  }
.LBB2_2:
0x63: {  	s9 =	sadd.s32 $0x100, s9;
	s16 =	sadd.s32 $0x80, s16;
	s1 =	sadd.s32 $0x80, s1  }
0x64: {  	p0 =	sne.s32 s17, $0x1F80;
	s11 =	smov.u32 s17;
	s17 =	sadd.s32 $0x80, s17;
	[tilespmem:s20+$0x420] =	vst v0  }
0x65: {  	v0 =	vld [tilespmem:s19+$0x10];
	s19 =	smov.u32 s16;
	_ =	sdelay $0x4  }
0x66: {  	[tilespmem:s20+$0x430] =	vst v0  }
0x67: {  	v0 =	vld [tilespmem:s8+$0xFFFFFFC0]  }
0x68: {  	v1 =	vld [tilespmem:s1+$0xFFFFFFC0];
	_ =	sdelay $0x4  }
0x69: {  	s11 =	sand.u32 $0x380, s11;
	s20 =	sand.u32 $0x3800, s9;
	v0 =	vadd.f32 v1, v0  }
0x6a: {  	s11 =	sor.u32 s11, s20  }
0x6b: {  	[tilespmem:s11+$0xFC00] =	vst v0  }
0x6c: {  	v0 =	vld [tilespmem:s8+$0xFFFFFFD0]  }
0x6d: {  	v1 =	vld [tilespmem:s1+$0xFFFFFFD0];
	_ =	sdelay $0x4  }
0x6e: {  	v0 =	vadd.f32 v1, v0;
	_ =	sdelay $0x1  }
0x6f: {  	[tilespmem:s11+$0xFC10] =	vst v0  }
0x70: {  	v0 =	vld [tilespmem:s8+$0xFFFFFFE0]  }
0x71: {  	v1 =	vld [tilespmem:s1+$0xFFFFFFE0];
	_ =	sdelay $0x4  }
0x72: {  	v0 =	vadd.f32 v1, v0;
	_ =	sdelay $0x1  }
0x73: {  	[tilespmem:s11+$0xFC20] =	vst v0  }
0x74: {  	v0 =	vld [tilespmem:s8+$0xFFFFFFF0]  }
0x75: {  	v1 =	vld [tilespmem:s1+$0xFFFFFFF0];
	_ =	sdelay $0x4  }
0x76: {  	v0 =	vadd.f32 v1, v0;
	_ =	sdelay $0x1  }
0x77: {  	[tilespmem:s11+$0xFC30] =	vst v0  }
0x78: {  	v0 =	vld [tilespmem:s8+$0x0]  }
0x79: {  	v1 =	vld [tilespmem:s1+$0x0];
	_ =	sdelay $0x4  }
0x7a: {  	v0 =	vadd.f32 v1, v0;
	_ =	sdelay $0x1  }
0x7b: {  	[tilespmem:s11+$0xFC40] =	vst v0  }
0x7c: {  	v0 =	vld [tilespmem:s8+$0x10]  }
0x7d: {  	v1 =	vld [tilespmem:s1+$0x10];
	_ =	sdelay $0x4  }
0x7e: {  	v0 =	vadd.f32 v1, v0;
	_ =	sdelay $0x1  }
0x7f: {  	[tilespmem:s11+$0xFC50] =	vst v0  }
0x80: {  	v0 =	vld [tilespmem:s8+$0x20]  }
0x81: {  	v1 =	vld [tilespmem:s1+$0x20];
	_ =	sdelay $0x4  }
0x82: {  	v0 =	vadd.f32 v1, v0;
	_ =	sdelay $0x1  }
0x83: {  	[tilespmem:s11+$0xFC60] =	vst v0  }
0x84: {  	v0 =	vld [tilespmem:s8+$0x30]  }
0x85: {  	v1 =	vld [tilespmem:s1+$0x30];
	_ =	sdelay $0x4  }
0x86: {  	s20 =	sadd.s32 $0xFC00, s11;
	v0 =	vadd.f32 v1, v0;
	_ =	sdelay $0x1  }
0x87: {  	[tilespmem:s11+$0xFC70] =	vst v0  }
0x88: {  	v0 =	vld [tilespmem:s16+$0xFFFFFFE0];
	_ =	sdelay $0x4  }
0x89: {  	[tilespmem:s20+$0x400] =	vst v0  }
0x8a: {  	v0 =	vld [tilespmem:s16+$0xFFFFFFF0];
	_ =	sdelay $0x4  }
.Ltmp2:
0x8b: {  	[tilespmem:s20+$0x410] =	vst v0;
	(pc) =	sbr.rel @p0 .LBB2_2-.Ltmp2, $2  }
0x8c: {  	v0 =	vld [tilespmem:s16+$0x0];
	_ =	sdelay $0x2  }
0x8d: {  	s8 =	sadd.s32 $0x80, s8  }
0x8e: {  	_ = 	snop  }
0x8f: {  	[tilespmem:s20+$0x420] =	vst v0  }
0x90: {  	v0 =	vld [tilespmem:s19+$0x10];
	_ =	sdelay $0x4  }
0x91: {  	s1 =	simm.s32 $0x0;
	[tilespmem:s20+$0x430] =	vst v0  }
0x92: {  	[hbm4b:s10+s1] =	stream.linear.scatter [tilespmem:s30], [sflag:$0x3], $0x4000, $0x38;
	[tilespmem:$0x1DC00] =	vst v63  }
0x93: {  	s8 =	simm.s32 $0x100  }
0x94: {  	[tilespmem:s12], [sflag:$0x1] =	stream.indirect.gather [hbm4b:s2+s18], $0x80, s8, s18, $0xb8;
	[tilespmem:$0x1DC00] =	vst v63  }
0x95: {  	s17 =	simm.s32 $0x3500  }
0x96: {  	[tilespmem:s21], [sflag:$0x1] =	stream.indirect.gather [hbm4b:s3+s18], $0x80, s17, s18, $0xb8;
	[tilespmem:$0x1DC00] =	vst v63  }
0x97: {  	s9 =	simm.s32 $0x6900;
	s19 =	simm.s32 $0xDC00  }
0x98: {  	[tilespmem:s19], [sflag:$0x1] =	stream.indirect.gather [hbm4b:s5+s18], $0x80, s9, s18, $0xb8;
	[tilespmem:$0x1DC00] =	vst v63  }
0x99: {  	_ =	swait.ge [sflag:s22], $0x2000  }
0x9a: {  	[sflag:s22] =	ssyncset.done $0x0  }
0x9b: {  	[sflag:s22] =	ssyncadd.s32 $0xFFFFE000  }
0x9c: {  	_ =	swait.ge [sflag:s22], $0x2000  }
0x9d: {  	[sflag:s22] =	ssyncset.done $0x0  }
0x9e: {  	[sflag:s22] =	ssyncadd.s32 $0xFFFFE000  }
0x9f: {  	_ =	swait.ge [sflag:s22], $0x2000  }
0xa0: {  	[sflag:s22] =	ssyncset.done $0x0  }
0xa1: {  	s20 =	simm.s32 $0x13C40;
	[sflag:s22] =	ssyncadd.s32 $0xFFFFE000  }
0xa2: {  	s16 =	simm.s32 $0x15C40;
	v0 =	vld [tilespmem:s20+$0xFFFFFFC0]  }
0xa3: {  	v1 =	vld [tilespmem:s16+$0xFFFFFFC0];
	_ =	sdelay $0x4  }
0xa4: {  	s11 =	sand.u32 $0x380, s1;
	s21 =	sand.u32 $0x3800, s1;
	v0 =	vadd.f32 v1, v0  }
0xa5: {  	s9 =	sor.u32 s11, s21  }
0xa6: {  	[tilespmem:s9+$0x19C00] =	vst v0  }
0xa7: {  	v0 =	vld [tilespmem:s20+$0xFFFFFFD0]  }
0xa8: {  	v1 =	vld [tilespmem:s16+$0xFFFFFFD0];
	_ =	sdelay $0x4  }
0xa9: {  	v0 =	vadd.f32 v1, v0  }
0xaa: {  	s17 =	sadd.s32 $0x19C00, s9  }
0xab: {  	[tilespmem:s17+$0x10] =	vst v0  }
0xac: {  	v0 =	vld [tilespmem:s20+$0xFFFFFFE0]  }
0xad: {  	v1 =	vld [tilespmem:s16+$0xFFFFFFE0];
	_ =	sdelay $0x4  }
0xae: {  	v0 =	vadd.f32 v1, v0;
	_ =	sdelay $0x1  }
0xaf: {  	[tilespmem:s17+$0x20] =	vst v0  }
0xb0: {  	v0 =	vld [tilespmem:s20+$0xFFFFFFF0]  }
0xb1: {  	v1 =	vld [tilespmem:s16+$0xFFFFFFF0];
	_ =	sdelay $0x4  }
0xb2: {  	v0 =	vadd.f32 v1, v0;
	_ =	sdelay $0x1  }
0xb3: {  	[tilespmem:s17+$0x30] =	vst v0  }
0xb4: {  	v0 =	vld [tilespmem:s20+$0x0]  }
0xb5: {  	v1 =	vld [tilespmem:s16+$0x0];
	_ =	sdelay $0x4  }
0xb6: {  	v0 =	vadd.f32 v1, v0;
	_ =	sdelay $0x1  }
0xb7: {  	[tilespmem:s17+$0x40] =	vst v0  }
0xb8: {  	v0 =	vld [tilespmem:s20+$0x10]  }
0xb9: {  	v1 =	vld [tilespmem:s16+$0x10];
	_ =	sdelay $0x4  }
0xba: {  	v0 =	vadd.f32 v1, v0;
	_ =	sdelay $0x1  }
0xbb: {  	[tilespmem:s17+$0x50] =	vst v0  }
0xbc: {  	v0 =	vld [tilespmem:s20+$0x20]  }
0xbd: {  	v1 =	vld [tilespmem:s16+$0x20];
	_ =	sdelay $0x4  }
0xbe: {  	v0 =	vadd.f32 v1, v0;
	_ =	sdelay $0x1  }
0xbf: {  	[tilespmem:s17+$0x60] =	vst v0  }
0xc0: {  	v0 =	vld [tilespmem:s20+$0x30]  }
0xc1: {  	v1 =	vld [tilespmem:s16+$0x30];
	_ =	sdelay $0x4  }
0xc2: {  	v0 =	vadd.f32 v1, v0;
	_ =	sdelay $0x1  }
0xc3: {  	s19 =	simm.s32 $0x17C20;
	[tilespmem:s17+$0x70] =	vst v0  }
0xc4: {  	v0 =	vld [tilespmem:s19+$0xFFFFFFE0];
	_ =	sdelay $0x4  }
0xc5: {  	[tilespmem:s17+$0x400] =	vst v0  }
0xc6: {  	v0 =	vld [tilespmem:s19+$0xFFFFFFF0];
	_ =	sdelay $0x4  }
0xc7: {  	[tilespmem:s17+$0x410] =	vst v0  }
0xc8: {  	v0 =	vld [tilespmem:s19+$0x0];
	_ =	sdelay $0x2  }
0xc9: {  	s8 =	simm.s32 $0x17C20;
	s9 =	simm.s32 $0x13CC0;
	s20 =	simm.s32 $0x80  }
.LBB2_4:
0xca: {  	s1 =	sadd.s32 $0x100, s1;
	s19 =	sadd.s32 $0x80, s19;
	s16 =	sadd.s32 $0x80, s16  }
0xcb: {  	p0 =	sne.s32 s20, $0x1F80;
	s11 =	smov.u32 s20;
	s20 =	sadd.s32 $0x80, s20;
	[tilespmem:s17+$0x420] =	vst v0  }
0xcc: {  	v0 =	vld [tilespmem:s8+$0x10];
	s8 =	smov.u32 s19;
	_ =	sdelay $0x4  }
0xcd: {  	[tilespmem:s17+$0x430] =	vst v0  }
0xce: {  	v0 =	vld [tilespmem:s9+$0xFFFFFFC0]  }
0xcf: {  	v1 =	vld [tilespmem:s16+$0xFFFFFFC0];
	_ =	sdelay $0x4  }
0xd0: {  	s11 =	sand.u32 $0x380, s11;
	s17 =	sand.u32 $0x3800, s1;
	v0 =	vadd.f32 v1, v0  }
0xd1: {  	s11 =	sor.u32 s11, s17  }
0xd2: {  	[tilespmem:s11+$0x19C00] =	vst v0  }
0xd3: {  	v0 =	vld [tilespmem:s9+$0xFFFFFFD0]  }
0xd4: {  	v1 =	vld [tilespmem:s16+$0xFFFFFFD0];
	_ =	sdelay $0x4  }
0xd5: {  	s17 =	sadd.s32 $0x19C00, s11;
	v0 =	vadd.f32 v1, v0;
	_ =	sdelay $0x1  }
0xd6: {  	[tilespmem:s17+$0x10] =	vst v0  }
0xd7: {  	v0 =	vld [tilespmem:s9+$0xFFFFFFE0]  }
0xd8: {  	v1 =	vld [tilespmem:s16+$0xFFFFFFE0];
	_ =	sdelay $0x4  }
0xd9: {  	v0 =	vadd.f32 v1, v0;
	_ =	sdelay $0x1  }
0xda: {  	[tilespmem:s17+$0x20] =	vst v0  }
0xdb: {  	v0 =	vld [tilespmem:s9+$0xFFFFFFF0]  }
0xdc: {  	v1 =	vld [tilespmem:s16+$0xFFFFFFF0];
	_ =	sdelay $0x4  }
0xdd: {  	v0 =	vadd.f32 v1, v0;
	_ =	sdelay $0x1  }
0xde: {  	[tilespmem:s17+$0x30] =	vst v0  }
0xdf: {  	v0 =	vld [tilespmem:s9+$0x0]  }
0xe0: {  	v1 =	vld [tilespmem:s16+$0x0];
	_ =	sdelay $0x4  }
0xe1: {  	v0 =	vadd.f32 v1, v0;
	_ =	sdelay $0x1  }
0xe2: {  	[tilespmem:s17+$0x40] =	vst v0  }
0xe3: {  	v0 =	vld [tilespmem:s9+$0x10]  }
0xe4: {  	v1 =	vld [tilespmem:s16+$0x10];
	_ =	sdelay $0x4  }
0xe5: {  	v0 =	vadd.f32 v1, v0;
	_ =	sdelay $0x1  }
0xe6: {  	[tilespmem:s17+$0x50] =	vst v0  }
0xe7: {  	v0 =	vld [tilespmem:s9+$0x20]  }
0xe8: {  	v1 =	vld [tilespmem:s16+$0x20];
	_ =	sdelay $0x4  }
0xe9: {  	v0 =	vadd.f32 v1, v0;
	_ =	sdelay $0x1  }
0xea: {  	[tilespmem:s17+$0x60] =	vst v0  }
0xeb: {  	v0 =	vld [tilespmem:s9+$0x30]  }
0xec: {  	v1 =	vld [tilespmem:s16+$0x30];
	_ =	sdelay $0x4  }
0xed: {  	v0 =	vadd.f32 v1, v0;
	_ =	sdelay $0x1  }
0xee: {  	[tilespmem:s17+$0x70] =	vst v0  }
0xef: {  	v0 =	vld [tilespmem:s19+$0xFFFFFFE0];
	_ =	sdelay $0x4  }
0xf0: {  	[tilespmem:s17+$0x400] =	vst v0  }
0xf1: {  	v0 =	vld [tilespmem:s19+$0xFFFFFFF0];
	_ =	sdelay $0x4  }
.Ltmp3:
0xf2: {  	[tilespmem:s17+$0x410] =	vst v0;
	(pc) =	sbr.rel @p0 .LBB2_4-.Ltmp3, $2  }
0xf3: {  	v0 =	vld [tilespmem:s19+$0x0];
	_ =	sdelay $0x2  }
0xf4: {  	s9 =	sadd.s32 $0x80, s9  }
0xf5: {  	_ = 	snop  }
0xf6: {  	[tilespmem:s17+$0x420] =	vst v0  }
0xf7: {  	v0 =	vld [tilespmem:s8+$0x10];
	_ =	sdelay $0x4  }
0xf8: {  	s1 =	rddreg [dreg:$0x8];
	[tilespmem:s17+$0x430] =	vst v0  }
0xf9: {  	[hbm4b:s1+s4] =	stream.linear.scatter [tilespmem:s24], [sflag:$0x4], $0x4000, $0x38;
	[tilespmem:$0x1DC00] =	vst v63  }
0xfa: {  	s19 =	simm.s32 $0x180  }
0xfb: {  	[tilespmem:s23], [sflag:$0x2] =	stream.indirect.gather [hbm4b:s2+s18], $0x80, s19, s18, $0xb8;
	[tilespmem:$0x1DC00] =	vst v63  }
0xfc: {  	s20 =	simm.s32 $0x3580  }
0xfd: {  	[tilespmem:s25], [sflag:$0x2] =	stream.indirect.gather [hbm4b:s3+s18], $0x80, s20, s18, $0xb8;
	[tilespmem:$0x1DC00] =	vst v63  }
0xfe: {  	s21 =	simm.s32 $0x6980;
	s1 =	simm.s32 $0x1  }
0xff: {  	[tilespmem:s28], [sflag:$0x2] =	stream.indirect.gather [hbm4b:s5+s18], $0x80, s21, s18, $0xb8;
	[tilespmem:$0x1DC00] =	vst v63  }
.LBB2_6:
0x100: {  	_ =	swait.ge [sflag:s29], $0x2000  }
0x101: {  	[sflag:s29] =	ssyncset.done $0x0  }
0x102: {  	[sflag:s29] =	ssyncadd.s32 $0xFFFFE000  }
0x103: {  	_ =	swait.ge [sflag:s29], $0x2000  }
0x104: {  	[sflag:s29] =	ssyncset.done $0x0  }
0x105: {  	[sflag:s29] =	ssyncadd.s32 $0xFFFFE000  }
0x106: {  	_ =	swait.ge [sflag:s29], $0x2000  }
0x107: {  	[sflag:s29] =	ssyncset.done $0x0  }
0x108: {  	[sflag:s29] =	ssyncadd.s32 $0xFFFFE000  }
0x109: {  	_ =	swait.ge [sflag:s0], $0x4000  }
0x10a: {  	[sflag:s0] =	ssyncset.done $0x0  }
0x10b: {  	s8 =	simm.s32 $0x9C40;
	[sflag:s0] =	ssyncadd.s32 $0xFFFFC000  }
0x10c: {  	s16 =	simm.s32 $0xBC40;
	v0 =	vld [tilespmem:s8+$0xFFFFFFC0]  }
0x10d: {  	v1 =	vld [tilespmem:s16+$0xFFFFFFC0];
	_ =	sdelay $0x3  }
0x10e: {  	s17 =	simm.s32 $0x0  }
0x10f: {  	s9 =	sand.u32 $0x3800, s17;
	s11 =	sand.u32 $0x380, s17;
	v0 =	vadd.f32 v1, v0  }
0x110: {  	s9 =	sor.u32 s11, s9  }
0x111: {  	[tilespmem:s9+$0xFC00] =	vst v0  }
0x112: {  	v0 =	vld [tilespmem:s8+$0xFFFFFFD0]  }
0x113: {  	v1 =	vld [tilespmem:s16+$0xFFFFFFD0];
	_ =	sdelay $0x4  }
0x114: {  	v0 =	vadd.f32 v1, v0;
	_ =	sdelay $0x1  }
0x115: {  	[tilespmem:s9+$0xFC10] =	vst v0  }
0x116: {  	v0 =	vld [tilespmem:s8+$0xFFFFFFE0]  }
0x117: {  	v1 =	vld [tilespmem:s16+$0xFFFFFFE0];
	_ =	sdelay $0x4  }
0x118: {  	v0 =	vadd.f32 v1, v0;
	_ =	sdelay $0x1  }
0x119: {  	[tilespmem:s9+$0xFC20] =	vst v0  }
0x11a: {  	v0 =	vld [tilespmem:s8+$0xFFFFFFF0]  }
0x11b: {  	v1 =	vld [tilespmem:s16+$0xFFFFFFF0];
	_ =	sdelay $0x4  }
0x11c: {  	v0 =	vadd.f32 v1, v0;
	_ =	sdelay $0x1  }
0x11d: {  	[tilespmem:s9+$0xFC30] =	vst v0  }
0x11e: {  	v0 =	vld [tilespmem:s8+$0x0]  }
0x11f: {  	v1 =	vld [tilespmem:s16+$0x0];
	_ =	sdelay $0x4  }
0x120: {  	v0 =	vadd.f32 v1, v0;
	_ =	sdelay $0x1  }
0x121: {  	[tilespmem:s9+$0xFC40] =	vst v0  }
0x122: {  	v0 =	vld [tilespmem:s8+$0x10]  }
0x123: {  	v1 =	vld [tilespmem:s16+$0x10];
	_ =	sdelay $0x4  }
0x124: {  	v0 =	vadd.f32 v1, v0;
	_ =	sdelay $0x1  }
0x125: {  	[tilespmem:s9+$0xFC50] =	vst v0  }
0x126: {  	v0 =	vld [tilespmem:s8+$0x20]  }
0x127: {  	v1 =	vld [tilespmem:s16+$0x20];
	_ =	sdelay $0x4  }
0x128: {  	v0 =	vadd.f32 v1, v0;
	_ =	sdelay $0x1  }
0x129: {  	[tilespmem:s9+$0xFC60] =	vst v0  }
0x12a: {  	v0 =	vld [tilespmem:s8+$0x30]  }
0x12b: {  	v1 =	vld [tilespmem:s16+$0x30];
	_ =	sdelay $0x4  }
0x12c: {  	v0 =	vadd.f32 v1, v0;
	_ =	sdelay $0x1  }
0x12d: {  	s19 =	simm.s32 $0xDC20;
	[tilespmem:s9+$0xFC70] =	vst v0  }
0x12e: {  	v0 =	vld [tilespmem:s19+$0xFFFFFFE0];
	_ =	sdelay $0x3  }
0x12f: {  	s21 =	sadd.s32 $0xFC00, s9  }
0x130: {  	[tilespmem:s21+$0x400] =	vst v0  }
0x131: {  	v0 =	vld [tilespmem:s19+$0xFFFFFFF0];
	_ =	sdelay $0x4  }
0x132: {  	[tilespmem:s21+$0x410] =	vst v0  }
0x133: {  	v0 =	vld [tilespmem:s19+$0x0];
	_ =	sdelay $0x2  }
0x134: {  	s20 =	simm.s32 $0x80;
	s8 =	simm.s32 $0xDC20;
	s9 =	simm.s32 $0x9CC0  }
.LBB2_7:
0x135: {  	s17 =	sadd.s32 $0x100, s17;
	s19 =	sadd.s32 $0x80, s19;
	s16 =	sadd.s32 $0x80, s16  }
0x136: {  	p0 =	sne.s32 s20, $0x1F80;
	s11 =	smov.u32 s20;
	s20 =	sadd.s32 $0x80, s20;
	[tilespmem:s21+$0x420] =	vst v0  }
0x137: {  	v0 =	vld [tilespmem:s8+$0x10];
	s8 =	smov.u32 s19;
	_ =	sdelay $0x4  }
0x138: {  	[tilespmem:s21+$0x430] =	vst v0  }
0x139: {  	v0 =	vld [tilespmem:s9+$0xFFFFFFC0]  }
0x13a: {  	v1 =	vld [tilespmem:s16+$0xFFFFFFC0];
	_ =	sdelay $0x4  }
0x13b: {  	s11 =	sand.u32 $0x380, s11;
	s21 =	sand.u32 $0x3800, s17;
	v0 =	vadd.f32 v1, v0  }
0x13c: {  	s11 =	sor.u32 s11, s21  }
0x13d: {  	[tilespmem:s11+$0xFC00] =	vst v0  }
0x13e: {  	v0 =	vld [tilespmem:s9+$0xFFFFFFD0]  }
0x13f: {  	v1 =	vld [tilespmem:s16+$0xFFFFFFD0];
	_ =	sdelay $0x4  }
0x140: {  	v0 =	vadd.f32 v1, v0;
	_ =	sdelay $0x1  }
0x141: {  	[tilespmem:s11+$0xFC10] =	vst v0  }
0x142: {  	v0 =	vld [tilespmem:s9+$0xFFFFFFE0]  }
0x143: {  	v1 =	vld [tilespmem:s16+$0xFFFFFFE0];
	_ =	sdelay $0x4  }
0x144: {  	v0 =	vadd.f32 v1, v0;
	_ =	sdelay $0x1  }
0x145: {  	[tilespmem:s11+$0xFC20] =	vst v0  }
0x146: {  	v0 =	vld [tilespmem:s9+$0xFFFFFFF0]  }
0x147: {  	v1 =	vld [tilespmem:s16+$0xFFFFFFF0];
	_ =	sdelay $0x4  }
0x148: {  	v0 =	vadd.f32 v1, v0;
	_ =	sdelay $0x1  }
0x149: {  	[tilespmem:s11+$0xFC30] =	vst v0  }
0x14a: {  	v0 =	vld [tilespmem:s9+$0x0]  }
0x14b: {  	v1 =	vld [tilespmem:s16+$0x0];
	_ =	sdelay $0x4  }
0x14c: {  	v0 =	vadd.f32 v1, v0;
	_ =	sdelay $0x1  }
0x14d: {  	[tilespmem:s11+$0xFC40] =	vst v0  }
0x14e: {  	v0 =	vld [tilespmem:s9+$0x10]  }
0x14f: {  	v1 =	vld [tilespmem:s16+$0x10];
	_ =	sdelay $0x4  }
0x150: {  	v0 =	vadd.f32 v1, v0;
	_ =	sdelay $0x1  }
0x151: {  	[tilespmem:s11+$0xFC50] =	vst v0  }
0x152: {  	v0 =	vld [tilespmem:s9+$0x20]  }
0x153: {  	v1 =	vld [tilespmem:s16+$0x20];
	_ =	sdelay $0x4  }
0x154: {  	v0 =	vadd.f32 v1, v0;
	_ =	sdelay $0x1  }
0x155: {  	[tilespmem:s11+$0xFC60] =	vst v0  }
0x156: {  	v0 =	vld [tilespmem:s9+$0x30]  }
0x157: {  	v1 =	vld [tilespmem:s16+$0x30];
	_ =	sdelay $0x4  }
0x158: {  	s21 =	sadd.s32 $0xFC00, s11;
	v0 =	vadd.f32 v1, v0;
	_ =	sdelay $0x1  }
0x159: {  	[tilespmem:s11+$0xFC70] =	vst v0  }
0x15a: {  	v0 =	vld [tilespmem:s19+$0xFFFFFFE0];
	_ =	sdelay $0x4  }
0x15b: {  	[tilespmem:s21+$0x400] =	vst v0  }
0x15c: {  	v0 =	vld [tilespmem:s19+$0xFFFFFFF0];
	_ =	sdelay $0x4  }
.Ltmp4:
0x15d: {  	[tilespmem:s21+$0x410] =	vst v0;
	(pc) =	sbr.rel @p0 .LBB2_7-.Ltmp4, $2  }
0x15e: {  	v0 =	vld [tilespmem:s19+$0x0];
	_ =	sdelay $0x2  }
0x15f: {  	s9 =	sadd.s32 $0x80, s9  }
0x160: {  	_ = 	snop  }
0x161: {  	[tilespmem:s21+$0x420] =	vst v0  }
0x162: {  	v0 =	vld [tilespmem:s8+$0x10]  }
0x163: {  	s16 =	sshll.u32 s1, $0x1  }
0x164: {  	s11 =	sadd.s32 s7, s16  }
0x165: {  	s8 =	sshll.u32 s11, $0xB  }
0x166: {  	s8 =	sand.u32 $0x1FFFF000, s8  }
0x167: {  	p0 =	seq.s32 s1, $0x31;
	s8 =	sadd.s32 s6, s8;
	[tilespmem:s21+$0x430] =	vst v0  }
0x168: {  	[hbm4b:s8+s4] =	stream.linear.scatter [tilespmem:s30], [sflag:$0x3], $0x4000, $0x38;
	[tilespmem:$0x1DC00] =	vst v63  }
0x169: {  	s8 =	sshll.u32 @!p0 s1, $0x8  }
0x16a: {  	s17 =	simm.s32 @!p0 $0x9C00;
	s11 =	simm.s32 @!p0 $0x40;
	s9 =	sadd.s32 @!p0 $0x100, s8  }
0x16b: {  	[tilespmem:s17], [sflag:$0x1] =	stream.indirect.gather @!p0 [hbm4b:s2+s11], $0x80, s9, s11, $0xb8;
	[tilespmem:$0x1DC00] =	vst v63  }
0x16c: {  	s9 =	sadd.s32 @!p0 $0x3500, s8;
	s17 =	simm.s32 @!p0 $0xBC00  }
0x16d: {  	[tilespmem:s17], [sflag:$0x1] =	stream.indirect.gather @!p0 [hbm4b:s3+s11], $0x80, s9, s11, $0xb8;
	[tilespmem:$0x1DC00] =	vst v63  }
0x16e: {  	s8 =	sadd.s32 @!p0 $0x6900, s8;
	s9 =	simm.s32 @!p0 $0xDC00  }
0x16f: {  	[tilespmem:s9], [sflag:$0x1] =	stream.indirect.gather @!p0 [hbm4b:s5+s11], $0x80, s8, s11, $0xb8;
	[tilespmem:$0x1DC00] =	vst v63  }
0x170: {  	_ =	swait.ge [sflag:s22], $0x2000  }
0x171: {  	[sflag:s22] =	ssyncset.done $0x0  }
0x172: {  	[sflag:s22] =	ssyncadd.s32 $0xFFFFE000  }
0x173: {  	_ =	swait.ge [sflag:s22], $0x2000  }
0x174: {  	[sflag:s22] =	ssyncset.done $0x0  }
0x175: {  	[sflag:s22] =	ssyncadd.s32 $0xFFFFE000  }
0x176: {  	_ =	swait.ge [sflag:s22], $0x2000  }
0x177: {  	[sflag:s22] =	ssyncset.done $0x0  }
0x178: {  	[sflag:s22] =	ssyncadd.s32 $0xFFFFE000  }
0x179: {  	_ =	swait.ge [sflag:s26], $0x4000  }
0x17a: {  	[sflag:s26] =	ssyncset.done $0x0  }
0x17b: {  	s12 =	simm.s32 $0x13C40;
	[sflag:s26] =	ssyncadd.s32 $0xFFFFC000  }
0x17c: {  	s17 =	simm.s32 $0x15C40;
	v0 =	vld [tilespmem:s12+$0xFFFFFFC0]  }
0x17d: {  	v1 =	vld [tilespmem:s17+$0xFFFFFFC0];
	_ =	sdelay $0x3  }
0x17e: {  	s19 =	simm.s32 $0x0  }
0x17f: {  	s20 =	sand.u32 $0x3800, s19;
	s21 =	sand.u32 $0x380, s19;
	v0 =	vadd.f32 v1, v0  }
0x180: {  	s9 =	sor.u32 s21, s20  }
0x181: {  	[tilespmem:s9+$0x19C00] =	vst v0  }
0x182: {  	v0 =	vld [tilespmem:s12+$0xFFFFFFD0]  }
0x183: {  	v1 =	vld [tilespmem:s17+$0xFFFFFFD0];
	_ =	sdelay $0x4  }
0x184: {  	v0 =	vadd.f32 v1, v0  }
0x185: {  	s20 =	sadd.s32 $0x19C00, s9  }
0x186: {  	[tilespmem:s20+$0x10] =	vst v0  }
0x187: {  	v0 =	vld [tilespmem:s12+$0xFFFFFFE0]  }
0x188: {  	v1 =	vld [tilespmem:s17+$0xFFFFFFE0];
	_ =	sdelay $0x4  }
0x189: {  	v0 =	vadd.f32 v1, v0;
	_ =	sdelay $0x1  }
0x18a: {  	[tilespmem:s20+$0x20] =	vst v0  }
0x18b: {  	v0 =	vld [tilespmem:s12+$0xFFFFFFF0]  }
0x18c: {  	v1 =	vld [tilespmem:s17+$0xFFFFFFF0];
	_ =	sdelay $0x4  }
0x18d: {  	v0 =	vadd.f32 v1, v0;
	_ =	sdelay $0x1  }
0x18e: {  	[tilespmem:s20+$0x30] =	vst v0  }
0x18f: {  	v0 =	vld [tilespmem:s12+$0x0]  }
0x190: {  	v1 =	vld [tilespmem:s17+$0x0];
	_ =	sdelay $0x4  }
0x191: {  	v0 =	vadd.f32 v1, v0;
	_ =	sdelay $0x1  }
0x192: {  	[tilespmem:s20+$0x40] =	vst v0  }
0x193: {  	v0 =	vld [tilespmem:s12+$0x10]  }
0x194: {  	v1 =	vld [tilespmem:s17+$0x10];
	_ =	sdelay $0x4  }
0x195: {  	v0 =	vadd.f32 v1, v0;
	_ =	sdelay $0x1  }
0x196: {  	[tilespmem:s20+$0x50] =	vst v0  }
0x197: {  	v0 =	vld [tilespmem:s12+$0x20]  }
0x198: {  	v1 =	vld [tilespmem:s17+$0x20];
	_ =	sdelay $0x4  }
0x199: {  	v0 =	vadd.f32 v1, v0;
	_ =	sdelay $0x1  }
0x19a: {  	[tilespmem:s20+$0x60] =	vst v0  }
0x19b: {  	v0 =	vld [tilespmem:s12+$0x30]  }
0x19c: {  	v1 =	vld [tilespmem:s17+$0x30];
	_ =	sdelay $0x4  }
0x19d: {  	v0 =	vadd.f32 v1, v0;
	_ =	sdelay $0x1  }
0x19e: {  	s21 =	simm.s32 $0x17C20;
	[tilespmem:s20+$0x70] =	vst v0  }
0x19f: {  	v0 =	vld [tilespmem:s21+$0xFFFFFFE0];
	_ =	sdelay $0x4  }
0x1a0: {  	[tilespmem:s20+$0x400] =	vst v0  }
0x1a1: {  	v0 =	vld [tilespmem:s21+$0xFFFFFFF0];
	_ =	sdelay $0x4  }
0x1a2: {  	[tilespmem:s20+$0x410] =	vst v0  }
0x1a3: {  	v0 =	vld [tilespmem:s21+$0x0];
	_ =	sdelay $0x2  }
0x1a4: {  	s8 =	simm.s32 $0x80;
	s11 =	simm.s32 $0x13CC0;
	s9 =	simm.s32 $0x17C20  }
.LBB2_9:
0x1a5: {  	s19 =	sadd.s32 $0x100, s19;
	s21 =	sadd.s32 $0x80, s21;
	s17 =	sadd.s32 $0x80, s17  }
0x1a6: {  	p1 =	sne.s32 s8, $0x1F80;
	s12 =	smov.u32 s8;
	s8 =	sadd.s32 $0x80, s8;
	[tilespmem:s20+$0x420] =	vst v0  }
0x1a7: {  	v0 =	vld [tilespmem:s9+$0x10];
	s9 =	smov.u32 s21;
	_ =	sdelay $0x4  }
0x1a8: {  	[tilespmem:s20+$0x430] =	vst v0  }
0x1a9: {  	v0 =	vld [tilespmem:s11+$0xFFFFFFC0]  }
0x1aa: {  	v1 =	vld [tilespmem:s17+$0xFFFFFFC0];
	_ =	sdelay $0x4  }
0x1ab: {  	s12 =	sand.u32 $0x380, s12;
	s20 =	sand.u32 $0x3800, s19;
	v0 =	vadd.f32 v1, v0  }
0x1ac: {  	s12 =	sor.u32 s12, s20  }
0x1ad: {  	[tilespmem:s12+$0x19C00] =	vst v0  }
0x1ae: {  	v0 =	vld [tilespmem:s11+$0xFFFFFFD0]  }
0x1af: {  	v1 =	vld [tilespmem:s17+$0xFFFFFFD0];
	_ =	sdelay $0x4  }
0x1b0: {  	s20 =	sadd.s32 $0x19C00, s12;
	v0 =	vadd.f32 v1, v0;
	_ =	sdelay $0x1  }
0x1b1: {  	[tilespmem:s20+$0x10] =	vst v0  }
0x1b2: {  	v0 =	vld [tilespmem:s11+$0xFFFFFFE0]  }
0x1b3: {  	v1 =	vld [tilespmem:s17+$0xFFFFFFE0];
	_ =	sdelay $0x4  }
0x1b4: {  	v0 =	vadd.f32 v1, v0;
	_ =	sdelay $0x1  }
0x1b5: {  	[tilespmem:s20+$0x20] =	vst v0  }
0x1b6: {  	v0 =	vld [tilespmem:s11+$0xFFFFFFF0]  }
0x1b7: {  	v1 =	vld [tilespmem:s17+$0xFFFFFFF0];
	_ =	sdelay $0x4  }
0x1b8: {  	v0 =	vadd.f32 v1, v0;
	_ =	sdelay $0x1  }
0x1b9: {  	[tilespmem:s20+$0x30] =	vst v0  }
0x1ba: {  	v0 =	vld [tilespmem:s11+$0x0]  }
0x1bb: {  	v1 =	vld [tilespmem:s17+$0x0];
	_ =	sdelay $0x4  }
0x1bc: {  	v0 =	vadd.f32 v1, v0;
	_ =	sdelay $0x1  }
0x1bd: {  	[tilespmem:s20+$0x40] =	vst v0  }
0x1be: {  	v0 =	vld [tilespmem:s11+$0x10]  }
0x1bf: {  	v1 =	vld [tilespmem:s17+$0x10];
	_ =	sdelay $0x4  }
0x1c0: {  	v0 =	vadd.f32 v1, v0;
	_ =	sdelay $0x1  }
0x1c1: {  	[tilespmem:s20+$0x50] =	vst v0  }
0x1c2: {  	v0 =	vld [tilespmem:s11+$0x20]  }
0x1c3: {  	v1 =	vld [tilespmem:s17+$0x20];
	_ =	sdelay $0x4  }
0x1c4: {  	v0 =	vadd.f32 v1, v0;
	_ =	sdelay $0x1  }
0x1c5: {  	[tilespmem:s20+$0x60] =	vst v0  }
0x1c6: {  	v0 =	vld [tilespmem:s11+$0x30]  }
0x1c7: {  	v1 =	vld [tilespmem:s17+$0x30];
	_ =	sdelay $0x4  }
0x1c8: {  	v0 =	vadd.f32 v1, v0;
	_ =	sdelay $0x1  }
0x1c9: {  	[tilespmem:s20+$0x70] =	vst v0  }
0x1ca: {  	v0 =	vld [tilespmem:s21+$0xFFFFFFE0];
	_ =	sdelay $0x4  }
0x1cb: {  	[tilespmem:s20+$0x400] =	vst v0  }
0x1cc: {  	v0 =	vld [tilespmem:s21+$0xFFFFFFF0];
	_ =	sdelay $0x4  }
.Ltmp5:
0x1cd: {  	[tilespmem:s20+$0x410] =	vst v0;
	(pc) =	sbr.rel @p1 .LBB2_9-.Ltmp5, $2  }
0x1ce: {  	v0 =	vld [tilespmem:s21+$0x0];
	_ =	sdelay $0x2  }
0x1cf: {  	s11 =	sadd.s32 $0x80, s11  }
0x1d0: {  	_ = 	snop  }
0x1d1: {  	[tilespmem:s20+$0x420] =	vst v0  }
0x1d2: {  	v0 =	vld [tilespmem:s9+$0x10];
	_ =	sdelay $0x1  }
.Ltmp6:
0x1d3: {  	s8 =	sadd.s32 s16, s13;
	(pc) =	sbr.rel @p0 .LBB2_12-.Ltmp6, $4  }
0x1d4: {  	s8 =	sshll.u32 s8, $0xB  }
0x1d5: {  	s8 =	sand.u32 $0x1FFFF800, s8  }
0x1d6: {  	s8 =	sadd.s32 s6, s8;
	[tilespmem:s20+$0x430] =	vst v0  }
0x1d7: {  	[hbm4b:s8+s4] =	stream.linear.scatter [tilespmem:s24], [sflag:$0x4], $0x4000, $0x38;
	[tilespmem:$0x1DC00] =	vst v63  }
0x1d8: {  	s8 =	sshll.u32 s1, $0x8  }
0x1d9: {  	s9 =	sadd.s32 $0x180, s8  }
0x1da: {  	[tilespmem:s23], [sflag:$0x2] =	stream.indirect.gather [hbm4b:s2+s18], $0x80, s9, s18, $0xb8;
	[tilespmem:$0x1DC00] =	vst v63  }
.Ltmp7:
0x1db: {  	_ = 	snop;
	(pc) =	sbr.rel .LBB2_6-.Ltmp7, $4  }
0x1dc: {  	s21 =	sadd.s32 $0x3580, s8  }
0x1dd: {  	[tilespmem:s25], [sflag:$0x2] =	stream.indirect.gather [hbm4b:s3+s18], $0x80, s21, s18, $0xb8;
	[tilespmem:$0x1DC00] =	vst v63  }
0x1de: {  	s1 =	sadd.s32 $0x1, s1;
	s8 =	sadd.s32 $0x6980, s8  }
0x1df: {  	[tilespmem:s28], [sflag:$0x2] =	stream.indirect.gather [hbm4b:s5+s18], $0x80, s8, s18, $0xb8;
	[tilespmem:$0x1DC00] =	vst v63  }
.LBB2_13:
0x1e0: {  	_ =	sfence.sel $0x180000  }
0x1e1: {  	[bflag:$0x0] =	sbarrier.arrive $0xFFFF  }
0x1e2: {  	_ =	strace $0x90000047  }
0x1e3: {  	s0 =	stileid.u32;
	[bflag:$0x2] =	sbarrier.arrive $0xFFFF  }
0x1e4: {  	p0 =	sne.s32 s0, $0x0;
	s0 =	rddreg [dreg:$0x4]  }
0x1e5: {  	s0 =	sadd.s32 @!p0 $0x100000, s0  }
0x1e6: {  	[sflag:s0] =	ssyncadd.tile.s32 @!p0 $0x1;
	_ =	shalt  }
.Lfunc_end2:
_tile_overlayer_lowered:
.L_overlay_start_2:
0x1e7: {  	(tag) =	ssettag $0x2  }
0x1e8: {  	s0 =	rddreg [dreg:$0x0];
	s2 =	stileid.u32  }
0x1e9: {  	s1 =	rddreg [dreg:$0x1];
	p0 =	sne.s32 s2, $0x0  }
0x1ea: {  	s3 =	rddreg [dreg:$0x2];
	[bflag:$0x3] =	sbarrier.arrive $0xFFFF;
	s2 =	simm.s32 @!p0 $0x1C05  }
0x1eb: {  	[timem:s3], [sflag:s2] =	dma.local @!p0 [hbm:s0], s1  }
0x1ec: {  	s0 =	simm.s32 @!p0 $0x5  }
0x1ed: {  	_ =	swait.ge @!p0 [sflag:s0], s1  }
0x1ee: {  	s1 =	ssub.s32 @!p0 $0x0, s1;
	[sflag:s0] =	ssyncset.done @!p0 $0x0  }
0x1ef: {  	[sflag:s0] =	ssyncadd.s32 @!p0 s1  }
0x1f0: {  	[bflag:$0x3] =	sbarrier.arrive $0xFFFF  }
0x1f1: {  	_ =	shalt  }

// kernel: sparse-core-data-format-call.cloned.1.call-start
scs
called_computation_lowered:
.L_overlay_start_0:
0x0: {  	s2 =	sld [smem:$0x3FD9]  }
0x1: {  	s3 =	sld [smem:$0x3FFE];
	_ =	sdelay $0x1  }
0x2: {  	s1 =	srdreg.scid  }
0x3: {  	s0 =	sand.u32 $0x1, s1  }
0x4: {  	s18 =	sshll.u32 s0, $0xA;
	s2 =	sadd.s32 s3, s2  }
0x5: {  	s2 =	sadd.s32 s2, s18  }
0x6: {  	[smem:$0x3FC2] =	sst s2  }
0x7: {  	_ = 	snop  }
0x8: {  	s2 =	sld [smem:$0x3FD0];
	(tm) =	ssettm $0x1  }
0x9: {  	s19 =	sld [smem:$0x3FFB];
	_ =	sdelay $0x3  }
0xa: {  	_ =	strace s19  }
0xb: {  	s3 =	sld [smem:$0x3FFC];
	_ =	sdelay $0x3  }
0xc: {  	_ =	strace s3  }
0xd: {  	s3 =	sld [smem:$0x3FFD];
	_ =	sdelay $0x3  }
0xe: {  	_ =	strace s3  }
0xf: {  	_ =	strace $0x8FFFFFFF  }
0x10: {  	s20 =	sld [smem:$0x3FDB];
	_ =	sdelay $0x1  }
0x11: {  	s4 =	simm.s32 $_scs_section_size  }
0x12: {  	s5 =	simm.s32 $_size__tile_overlayer_lowered;
	s6 =	simm.s32 $_tile_overlayer_lowered  }
0x13: {  	s23 =	simm.s32 $0x1BFF;
	s22 =	sshll.u32 s6, $0x1;
	s3 =	sadd.s32 s4, s20  }
0x14: {  	s7 =	simm.s32 $0x0;
	s21 =	sshll.u32 s5, $0x1;
	s5 =	sadd.s32 s22, s3  }
0x15: {  	[timem:s7], [sflag:s23] =	dma.local [hbm:s5], s21  }
0x16: {  	_ =	swait.ge [sflag:s23], s21  }
0x17: {  	s4 =	ssub.s32 $0x0, s21;
	[sflag:s23] =	ssyncset.done $0x0  }
0x18: {  	[sflag:s23] =	ssyncadd.s32 s4;
	_ =	sdelay $0x1  }
0x19: {  	s24 =	simm.s32 $0x1B8B  }
0x1a: {  	_ =	swait.ge [sflag:s24], $0x1  }
0x1b: {  	[sflag:s24] =	ssyncset.done $0x0  }
0x1c: {  	s26 =	simm.s32 $0x1B8E;
	s25 =	sld [smem:$0x3FFE];
	[sflag:s24] =	ssyncadd.s32 $0xFFFFFFFF  }
0x1d: {  	s27 =	simm.s32 $execute0_lowered;
	[smem:$0x3FD2] =	sst s26  }
0x1e: {  	s5 =	sshll.u32 s27, $0x1;
	_ =	strace $0x80000049;
	[dreg:$0x1] =	wrdreg $0xFFFFFFFF  }
0x1f: {  	s28 =	simm.s32 $_size_execute0_lowered;
	s3 =	sadd.s32 s3, s5;
	[dreg:$0x0] =	wrdreg $0x0  }
0x20: {  	s5 =	sshll.u32 s28, $0x1;
	[dreg:$0x2] =	wrdreg s3  }
0x21: {  	[dreg:$0x3] =	wrdreg s5  }
0x22: {  	[dreg:$0x4] =	wrdreg $0xC0  }
0x23: {  	_ =	task [dreg:s7], $0x5FFFF  }
0x24: {  	[dreg:$0x1] =	wrdreg $0xFFFFFFFF  }
0x25: {  	[dreg:$0x0] =	wrdreg $0x60  }
0x26: {  	[dreg:$0x2] =	wrdreg s25  }
0x27: {  	[dreg:$0x3] =	wrdreg s2  }
0x28: {  	[dreg:$0x4] =	wrdreg $0x9  }
0x29: {  	_ =	task.clear_ibuf [dreg:s7], $0x5FFFF;
	_ =	strace $0x90000049  }
0x2a: {  	s29 =	simm.s32 $0x9;
	_ =	strace $0x8000004B  }
0x2b: {  	_ =	swait.ge [sflag:s29], $0x1  }
0x2c: {  	[sflag:s29] =	ssyncadd.s32 $0xFFFFFFFF  }
0x2d: {  	_ =	strace $0x9000004B  }
0x2e: {  	_ =	sfence  }
0x2f: {  	s30 =	sld [smem:$0x0];
	_ =	sdelay $0x2  }
0x30: {  	s31 =	sshll.u32 s1, $0xD;
	s1 =	sshrl.u32 s1, $0x2  }
0x31: {  	s3 =	sand.u32 $0x4000, s31;
	s1 =	sadd.s32 s1, s30  }
0x32: {  	s0 =	sor.u32 s3, s0;
	s1 =	sshll.u32 s1, $0x11  }
0x33: {  	s0 =	sor.u32 s1, s0  }
0x34: {  	s0 =	sadd.s32 $0x8F2B, s0  }
0x35: {  	[sflag:s0] =	ssyncadd.remote.s32 $0x1  }
0x36: {  	_ =	sfence.sel $0xFFFF  }
0x37: {  	[dreg:$0x0] =	wrdreg $0xFFFFFFFF;
	(pc) =	sbr.abs _section_cstart, $3  }
0x38: {  	[dreg:$0x1] =	wrdreg $0xFFFFFFFF  }
0x39: {  	_ =	task.clear_ibuf [dreg:s7], $0x2FFFF;
	_ =	strace $0x9FFFFFFF  }
0x3a: {  	(tm) =	ssettm $0x7FFFFFFF  }
0x3b: {  	_ =	shalt  }
tec
execute0_lowered:
.L_overlay_start_1:
0x0: {  	(tag) =	ssettag $0x1  }
0x1: {  	s0 =	srdreg.scid;
	s6 =	rddreg [dreg:$0x0]  }
0x2: {  	s3 =	rddreg [dreg:$0x1];
	s1 =	sshll.u32 s0, $0x4  }
0x3: {  	s5 =	simm.s32 $0x1;
	s0 =	stileid.u32;
	s1 =	sand.u32 $0x10, s1  }
0x4: {  	s31 =	simm.s32 $0x2;
	s16 =	simm.s32 $0x0;
	s1 =	sor.u32 s0, s1  }
0x5: {  	s8 =	simm.s32 $0x8000;
	s18 =	simm.s32 $0x0;
	s2 =	sshll.u32 s1, $0x7  }
0x6: {  	s17 =	simm.s32 $0x0;
	s9 =	simm.s32 $0x0;
	s4 =	ssub.s32 $0x1000, s2  }
0x7: {  	s10 =	simm.s32 $0x0;
	s11 =	simm.s32 $0x0;
	s30 =	sand.u32 $0xF80, s4  }
0x8: {  	s12 =	simm.s32 $0x0;
	s13 =	simm.s32 $0x0;
	p0 =	sne.s32 s30, $0x0  }
.Ltmp0:
0x9: {  	s7 =	sshrl.u32 s4, $0xC;
	s5 =	simm.s32 @!p0 $0x0;
	(pc) =	sbr.rel .LBB1_1-.Ltmp0, $4  }
0xa: {  	s15 =	simm.s32 $0x0;
	s1 =	rddreg [dreg:$0x2];
	s5 =	sadd.s32 s5, s7  }
0xb: {  	_ =	strace $0x8000004A;
	s4 =	simm.s32 $0x1;
	s5 =	smul.u32 $0x64, s5  }
0xc: {  	s6 =	sadd.s32 $0x65EC00, s6;
	s14 =	smov.u32 s2;
	[sflag:s4] =	ssyncpa.u1 $0x0  }
0xd: {  	[sflag:s31] =	ssyncpa.u1 $0x0;
	p0 =	por $0x0, $0x0;
	s7 =	sor.u32 $0x1, s5  }
.LBB1_4:
0xe: {  	s23 =	sshra.s32 s23, $0x2;
	s30 =	sshll.u32 s9, $0xC  }
0xf: {  	p1 =	sgt.s32 s10, $0x31;
	s24 =	smov.u32 s10;
	s25 =	sshra.s32 s10, $0x1F  }
0x10: {  	s26 =	sshll.u32 s11, $0x3;
	s28 =	smov.u32 s11;
	s29 =	sshra.s32 s11, $0x1F  }
0x11: {  	s22 =	sadd.s32 s23, s22;
	s24 =	simm.s32 @!p1 $0x31;
	s25 =	sand.u32 s25, s10  }
0x12: {  	s23 =	sand.u32 $0xFFFF8000, s30;
	s27 =	sand.u32 $0xFFFFFC00, s26;
	p1 =	sgt.s32 s9, $0x40  }
0x13: {  	s31 =	sand.u32 s29, s11;
	s29 =	sshll.u32 s9, $0x7;
	s30 =	sshra.s32 s9, $0x1F  }
0x14: {  	[tilespmem:s21+$0x2040 ss:$0x81] =	vst.msk $0xffff, v4;
	s24 =	ssub.s32 s24, s25;
	s23 =	sadd.s32 s27, s23;
	s27 =	smov.u32 s9  }
0x15: {  	[tilespmem:s21+$0x2850 ss:$0x81] =	vst.msk $0xffff, v3;
	s29 =	sand.u32 $0x380, s29;
	s25 =	sadd.s32 $0xFFFFFFCF, s24;
	s27 =	simm.s32 @!p1 $0x40  }
0x16: {  	v5 =	vld [tilespmem:s20+$0xFFFFFFD0];
	[tilespmem:s21+$0x3060 ss:$0x81] =	vst.msk $0xffff, v2;
	p1 =	sgt.s32 s11, $0xF80;
	s23 =	sshrl.u32 s23, $0xC;
	s24 =	ssub.s32 $0x32, s24  }
0x17: {  	v58 =	vld [tilespmem:s20+$0xFFFFFFE0];
	[tilespmem:s21+$0x0 ss:$0x81] =	vst.msk $0xffff, v1;
	s28 =	simm.s32 @!p1 $0xF80;
	p1 =	sgt.s32 s25, $0x0;
	s21 =	smulhi.u32 $0x1555556, s23  }
0x18: {  	v59 =	vld [tilespmem:s20+$0xFFFFFFF0];
	s25 =	ssub.s32 s28, s31;
	s28 =	sand.u32 s30, s9;
	s24 =	simm.s32 @p1 $0x0  }
0x19: {  	v60 =	vld [tilespmem:s20+$0x0];
	s27 =	ssub.s32 s27, s28;
	s31 =	sadd.s32 $0xFFFFF080, s25;
	s25 =	ssub.s32 $0x1000, s25  }
0x1a: {  	v61 =	vld [tilespmem:s20+$0x10];
	[tilespmem:s22+$0x3870 ss:$0x81] =	vst.msk $0xffff, v0;
	s21 =	smul.u32 $0xC0, s21;
	s28 =	sand.u32 $0x7, s11;
	p1 =	sgt.s32 s31, $0x7F  }
0x1b: {  	v62 =	vld [tilespmem:s20+$0x20];
	[tilespmem:s22+$0x810 ss:$0x81] =	vst.msk $0xffff, v5;
	s30 =	sadd.s32 $0xFFFFFFC0, s27;
	s31 =	sand.u32 $0x78, s11;
	s25 =	simm.s32 @p1 $0x0  }
0x1c: {  	v63 =	vld [tilespmem:s20+$0xFFFFFFC0];
	[tilespmem:s22+$0x1020 ss:$0x81] =	vst.msk $0xffff, v58;
	p1 =	sgt.s32 s30, $0x7F;
	s30 =	sand.u32 $0xC00, s26;
	s24 =	smul.u32 s25, s24  }
0x1d: {  	[tilespmem:s22+$0x1830 ss:$0x81] =	vst.msk $0xffff, v59;
	s26 =	ssub.s32 $0xC0, s27;
	s20 =	sor.u32 s31, s30;
	s31 =	smul.u32 $0x18000, s10  }
0x1e: {  	[tilespmem:s22+$0x2040 ss:$0x81] =	vst.msk $0xffff, v60;
	s21 =	ssub.s32 s23, s21;
	s26 =	simm.s32 @p1 $0x0;
	s20 =	sor.u32 s29, s20  }
0x1f: {  	[tilespmem:s22+$0x2850 ss:$0x81] =	vst.msk $0xffff, v61;
	s26 =	smul.u32 s26, s24;
	s20 =	sshrl.u32 s20, $0x3;
	s27 =	sadd.s32 s3, s31  }
0x20: {  	[tilespmem:s22+$0x3060 ss:$0x81] =	vst.msk $0xffff, v62;
	s21 =	sshll.u32 s21, $0x9;
	s29 =	sshll.u32 s28, $0x12;
	s20 =	sadd.s32 s20, s27  }
0x21: {  	[tilespmem:s22+$0x0 ss:$0x81] =	vst.msk $0xffff, v63;
	s31 =	sor.u32 $0x400, s29;
	s30 =	sand.u32 $0x3FFFFFFF, s26;
	s20 =	sadd.s32 s21, s20  }
0x22: {  	[hbm4b:s20+s31] =	stream.strided.scatter [tilespmem:s19], [sflag:$0x2], s30, s8, s31, $0x20;
	[tilespmem:$0x10100] =	vst v63  }
.LBB1_5:
0x23: {  	p1 =	slt.u32 s15, $0x2  }
0x24: {  	p2 =	sgt.s32 @!p1 s18, $0x31  }
0x25: {  	s19 =	smov.u32 s18;
	s20 =	sshra.s32 @!p1 s18, $0x1F;
	p2 =	por !p2, p1  }
0x26: {  	s18 =	sand.u32 @!p1 s20, s18;
	s19 =	simm.s32 @p2 $0x31  }
0x27: {  	p3 =	sgt.s32 @!p1 s16, $0x40;
	s18 =	ssub.s32 @!p1 s19, s18  }
0x28: {  	p4 =	sgt.s32 @!p1 s17, $0xF80;
	s21 =	sshra.s32 @!p1 s17, $0x1F;
	s19 =	sadd.s32 @!p1 $0xFFFFFFCF, s18  }
0x29: {  	s20 =	smov.u32 s16;
	p2 =	sgt.s32 @!p1 s19, $0x0;
	s19 =	sshra.s32 @!p1 s16, $0x1F  }
0x2a: {  	p4 =	por !p4, p1;
	s16 =	sand.u32 @!p1 s19, s16;
	s19 =	smov.u32 s17  }
0x2b: {  	p3 =	por !p3, p1;
	s17 =	sand.u32 @!p1 s21, s17;
	s19 =	simm.s32 @p4 $0xF80  }
0x2c: {  	s20 =	simm.s32 @p3 $0x40;
	s18 =	ssub.s32 @!p1 $0x32, s18;
	s17 =	ssub.s32 @!p1 s19, s17  }
0x2d: {  	p2 =	por !p2, p1;
	s16 =	ssub.s32 @!p1 s20, s16;
	s20 =	sadd.s32 @!p1 $0xFFFFF080, s17  }
0x2e: {  	s18 =	simm.s32 @!p2 $0x0;
	p3 =	sgt.s32 @!p1 s20, $0x7F  }
0x2f: {  	s19 =	sadd.s32 @!p1 $0xFFFFFFC0, s16;
	s17 =	ssub.s32 @!p1 $0x1000, s17;
	p3 =	por !p3, p1  }
0x30: {  	p2 =	sgt.s32 @!p1 s19, $0x7F;
	s19 =	sadd.s32 $0x80, s12;
	s17 =	simm.s32 @!p3 $0x0  }
0x31: {  	p3 =	sgt.s32 s19, $0xBF;
	s17 =	smul.u32 @!p1 s17, s18;
	s18 =	simm.s32 $0x1  }
0x32: {  	s16 =	ssub.s32 @!p1 $0xC0, s16;
	p2 =	por !p2, p1;
	s18 =	simm.s32 @!p3 $0x0  }
0x33: {  	s21 =	smov.u32 s14;
	s16 =	simm.s32 @!p2 $0x0;
	s20 =	sadd.s32 s18, s13  }
0x34: {  	s16 =	smul.u32 @!p1 s16, s17;
	s17 =	sadd.s32 $0x1000, s14;
	p2 =	sgt.s32 s20, $0x31  }
0x35: {  	p0 =	por !p0, !p0;
	s22 =	simm.s32 @!p1 $0x2;
	s21 =	smov.u32 @p2 s17  }
0x36: {  	s19 =	simm.s32 @p3 $0x0;
	s20 =	simm.s32 @p2 $0x0;
	p2 =	sgt.s32 s21, $0xFFF  }
0x37: {  	s18 =	smov.u32 s10;
	s21 =	smov.u32 @p2 s2;
	p2 =	sne.s32 s15, s7  }
.Ltmp1:
0x38: {  	s10 =	smov.u32 s13;
	s16 =	sand.u32 @!p1 $0x3FFFFFFF, s16;
	(pc) =	sbr.rel @!p2 .LBB1_6-.Ltmp1, $4  }
0x39: {  	s17 =	smov.u32 s11;
	s11 =	smov.u32 s14;
	_ =	swait.ge @!p1 [sflag:s22], s16  }
0x3a: {  	s23 =	ssub.s32 @!p1 $0x0, s16;
	s16 =	smov.u32 s9;
	s9 =	smov.u32 s12  }
0x3b: {  	s12 =	smov.u32 s19;
	s13 =	smov.u32 s20;
	[sflag:s22] =	ssyncset.done @!p1 $0x0  }
0x3c: {  	s15 =	sadd.s32 $0x1, s15;
	[sflag:s22] =	ssyncadd.s32 @!p1 s23;
	s14 =	smov.u32 s21  }
.LBB1_1:
0x3d: {  	p1 =	sge.u32 s15, s5  }
0x3e: {  	s19 =	sshll.u32 @!p1 s13, $0x8;
	s20 =	sshll.u32 @!p1 s12, $0x3  }
0x3f: {  	s21 =	sshll.u32 @!p1 s13, $0x7;
	s19 =	sand.u32 @!p1 $0xFFFFF800, s19;
	s20 =	sand.u32 @!p1 $0xFFFFFC00, s20  }
0x40: {  	s19 =	sadd.s32 @!p1 s19, s20;
	s20 =	sand.u32 @!p1 $0x300, s21  }
0x41: {  	s19 =	sor.u32 @!p1 s20, s19  }
0x42: {  	s19 =	sshrl.u32 @!p1 s19, $0x8  }
0x43: {  	s31 =	sadd.s32 $0xFFFFFFFF, s15;
	s20 =	smulhi.u32 @!p1 $0x4924925, s19  }
0x44: {  	s22 =	sxor.u32 @!p1 $0xFFFFFFFF, s15;
	s23 =	sand.u32 @!p1 $0x78, s12;
	s24 =	smul.u32 @!p1 $0x700, s14  }
0x45: {  	s22 =	sshll.u32 @!p1 s22, $0xE;
	s21 =	sand.u32 @!p1 $0x80, s21;
	s20 =	smul.u32 @!p1 $0x38, s20  }
0x46: {  	s22 =	sand.u32 @!p1 $0x4000, s22;
	s21 =	sor.u32 @!p1 s23, s21;
	s23 =	sand.u32 @!p1 $0x7, s12  }
0x47: {  	s19 =	ssub.s32 @!p1 s19, s20;
	s20 =	sshrl.u32 @!p1 s21, $0x3;
	s21 =	sadd.s32 @!p1 s6, s24  }
0x48: {  	s19 =	sshll.u32 @!p1 s19, $0x5;
	s20 =	sadd.s32 @!p1 s20, s21;
	s21 =	sshll.u32 @!p1 s23, $0x12  }
0x49: {  	s19 =	sadd.s32 @!p1 s19, s20;
	s20 =	sor.u32 @!p1 $0x80, s21;
	s21 =	simm.s32 @!p1 $0x3800  }
0x4a: {  	[tilespmem:s22], [sflag:$0x1] =	stream.strided.gather @!p1 [hbm4b:s19+s20], $0x4000, s21, s20, $0x38;
	[tilespmem:$0x10100] =	vst v63  }
0x4b: {  	p1 =	sge.u32 s31, s5  }
.Ltmp2:
0x4c: {  	_ = 	snop;
	(pc) =	sbr.rel @p1 .LBB1_5-.Ltmp2, $1  }
0x4d: {  	_ =	sdelay $0x3  }
0x4e: {  	s19 =	simm.s32 $0x1  }
0x4f: {  	_ =	swait.ge [sflag:s4], $0x4000;
	s19 =	simm.s32 @!p0 $0x0  }
0x50: {  	[sflag:s4] =	ssyncset.done $0x0;
	s20 =	sshll.u32 s19, $0xE  }
0x51: {  	[sflag:s4] =	ssyncadd.s32 $0xFFFFC000;
	s20 =	sor.u32 $0x40, s20  }
0x52: {  	s19 =	smul.u32 $0x10200, s19;
	v0 =	vld [tilespmem:s20+$0x30]  }
0x53: {  	v1 =	vld [tilespmem:s20+$0xFFFFFFD0]  }
0x54: {  	s19 =	sshrl.u32 s19, $0x2;
	v5 =	vld [tilespmem:s20+$0xFFFFFFE0]  }
0x55: {  	v6 =	vld [tilespmem:s20+$0xFFFFFFF0];
	s22 =	sor.u32 $0x8000, s19  }
0x56: {  	s31 =	sand.u32 $0x1, s15;
	v4 =	vld [tilespmem:s20+$0x0];
	s21 =	sadd.s32 $0x0, s22  }
0x57: {  	v3 =	vld [tilespmem:s20+$0x10];
	s19 =	smul.u32 $0x10200, s31;
	[tilespmem:s21+$0x3870 ss:$0x81] =	vst.msk $0xffff, v0  }
0x58: {  	v2 =	vld [tilespmem:s20+$0x20];
	[tilespmem:s21+$0x810 ss:$0x81] =	vst.msk $0xffff, v1  }
0x59: {  	s19 =	sshrl.u32 s19, $0x2;
	v1 =	vld [tilespmem:s20+$0xFFFFFFC0];
	[tilespmem:s21+$0x1020 ss:$0x81] =	vst.msk $0xffff, v5;
	s20 =	sadd.s32 $0x80, s20  }
0x5a: {  	s23 =	simm.s32 $0x4;
	s24 =	simm.s32 $0x8;
	s19 =	sor.u32 $0x8000, s19;
	[tilespmem:s21+$0x1830 ss:$0x81] =	vst.msk $0xffff, v6;
	v0 =	vld [tilespmem:s20+$0x30]  }
.LBB1_3:
0x5b: {  	p1 =	sne.s32 s24, $0x1FC;
	v5 =	vld [tilespmem:s20+$0xFFFFFFD0];
	[tilespmem:s21+$0x2040 ss:$0x81] =	vst.msk $0xffff, v4  }
0x5c: {  	v6 =	vld [tilespmem:s20+$0xFFFFFFE0];
	[tilespmem:s21+$0x2850 ss:$0x81] =	vst.msk $0xffff, v3  }
0x5d: {  	s25 =	sshra.s32 s23, $0x2;
	s23 =	smov.u32 s24;
	v7 =	vld [tilespmem:s20+$0xFFFFFFF0];
	[tilespmem:s21+$0x3060 ss:$0x81] =	vst.msk $0xffff, v2  }
.Ltmp3:
0x5e: {  	v4 =	vld [tilespmem:s20+$0x0];
	[tilespmem:s21+$0x0 ss:$0x81] =	vst.msk $0xffff, v1;
	s21 =	sadd.s32 s25, s22;
	(pc) =	sbr.rel @p1 .LBB1_3-.Ltmp3, $4  }
0x5f: {  	v3 =	vld [tilespmem:s20+$0x10];
	[tilespmem:s21+$0x3870 ss:$0x81] =	vst.msk $0xffff, v0  }
0x60: {  	[tilespmem:s21+$0x810 ss:$0x81] =	vst.msk $0xffff, v5;
	v2 =	vld [tilespmem:s20+$0x20]  }
0x61: {  	v1 =	vld [tilespmem:s20+$0xFFFFFFC0];
	[tilespmem:s21+$0x1020 ss:$0x81] =	vst.msk $0xffff, v6;
	s20 =	sadd.s32 $0x80, s20  }
0x62: {  	s24 =	sadd.s32 $0x4, s24;
	v0 =	vld [tilespmem:s20+$0x30];
	[tilespmem:s21+$0x1830 ss:$0x81] =	vst.msk $0xffff, v7  }
.Ltmp4:
0x63: {  	_ = 	snop;
	(pc) =	sbr.rel .LBB1_4-.Ltmp4, $1  }
0x64: {  	_ =	sdelay $0x3  }
.LBB1_6:
0x65: {  	_ =	sfence.sel $0x180000  }
0x66: {  	s2 =	simm.s32 $0x1;
	[bflag:$0x0] =	sbarrier.arrive $0xFFFF  }
0x67: {  	s31 =	simm.s32 $0x2;
	[sflag:s2] =	ssyncpa.u1 $0x1  }
0x68: {  	[sflag:s31] =	ssyncpa.u1 $0x1  }
0x69: {  	p0 =	sne.s32 s0, $0x0;
	_ =	strace $0x9000004A  }
0x6a: {  	s0 =	sadd.s32 @!p0 $0x100000, s1;
	[bflag:$0x2] =	sbarrier.arrive $0xFFFF  }
0x6b: {  	[sflag:s0] =	ssyncadd.tile.s32 @!p0 $0x1;
	_ =	shalt  }
.Lfunc_end1:
_tile_overlayer_lowered:
.L_overlay_start_2:
0x6c: {  	(tag) =	ssettag $0x2  }
0x6d: {  	s0 =	rddreg [dreg:$0x0];
	s2 =	stileid.u32  }
0x6e: {  	s1 =	rddreg [dreg:$0x1];
	p0 =	sne.s32 s2, $0x0  }
0x6f: {  	s3 =	rddreg [dreg:$0x2];
	[bflag:$0x3] =	sbarrier.arrive $0xFFFF;
	s2 =	simm.s32 @!p0 $0x1C01  }
0x70: {  	[timem:s3], [sflag:s2] =	dma.local @!p0 [hbm:s0], s1  }
0x71: {  	s0 =	simm.s32 @!p0 $0x1  }
0x72: {  	_ =	swait.ge @!p0 [sflag:s0], s1  }
0x73: {  	s1 =	ssub.s32 @!p0 $0x0, s1;
	[sflag:s0] =	ssyncset.done @!p0 $0x0  }
0x74: {  	[sflag:s0] =	ssyncadd.s32 @!p0 s1  }
0x75: {  	[bflag:$0x3] =	sbarrier.arrive $0xFFFF  }
0x76: {  	_ =	shalt  }

</sc_bundles>
